<compile_context>
chip_gen: v7x
topology: tpu7x:2x2x1
jax: 0.10.2.dev20260603
libtpu: 0.0.44.dev20260713+nightly
codegen_flags: <defaults>
</compile_context>

<pallas_src>
import jax
import jax.numpy as jnp
from jax import lax
from jax.experimental import pallas as pl
from jax.experimental.pallas import tpu as pltpu
from jax.experimental.pallas import tpu_sc as plsc

HIDDEN = 128
NB = HIDDEN // 16
CHUNK = 80
NW = 32


def _body(e0, e1, e2, t0, t1, t2, out,
          t0_sp, t1_sp, t2_sp, idx0, idx1, idx2,
          rows, outbuf, sem_g, sem_o):
    nc = 2
    cid = lax.axis_index("c")
    sid = lax.axis_index("s")
    wid = sid * nc + cid
    e_total = out.shape[0]
    per_tile = e_total // NW
    n_chunks = per_tile // CHUNK
    base = wid * per_tile

    @pl.when(sid == 0)
    def _stage():
        pltpu.sync_copy(t0, t0_sp)
        pltpu.sync_copy(t1, t1_sp)
        pltpu.sync_copy(t2, t2_sp)

    pltpu.sync_copy(e0.at[pl.ds(base, per_tile)], idx0)
    pltpu.sync_copy(e1.at[pl.ds(base, per_tile)], idx1)
    pltpu.sync_copy(e2.at[pl.ds(base, per_tile)], idx2)
    plsc.subcore_barrier()

    tables = (t0_sp, t1_sp, t2_sp)
    idxs = (idx0, idx1, idx2)

    def issue_gathers(k, p):
        o = k * CHUNK
        for j in range(3):
            pltpu.async_copy(
                tables[j].at[idxs[j].at[pl.ds(o, CHUNK)]], rows[p][j], sem_g[p])

    def wait_gathers(p):
        for j in range(3):
            pltpu.make_async_copy(
                tables[j].at[idxs[j].at[pl.ds(0, CHUNK)]], rows[p][j],
                sem_g[p]).wait()

    def wait_out(p):
        pltpu.make_async_copy(
            outbuf[p], out.at[pl.ds(base, CHUNK), :], sem_o[p]).wait()

    issue_gathers(0, 0)
    issue_gathers(1, 1)

    def chunk_body(k, _):
        p = lax.rem(k, 2)

        def run(p):
            wait_gathers(p)

            @pl.when(k >= 2)
            def _():
                wait_out(p)

            r0, r1, r2 = rows[p]
            ob = outbuf[p]

            @plsc.parallel_loop(0, CHUNK, unroll=2)
            def _(i):
                for b in range(NB):
                    s = pl.ds(b * 16, 16)
                    ob[i, s] = r0[i, s] + r1[i, s] + r2[i, s]

            pltpu.async_copy(
                ob, out.at[pl.ds(base + k * CHUNK, CHUNK), :], sem_o[p])

            @pl.when(k + 2 < n_chunks)
            def _():
                issue_gathers(k + 2, p)

        @pl.when(p == 0)
        def _():
            run(0)

        @pl.when(p == 1)
        def _():
            run(1)

        return 0

    lax.fori_loop(0, n_chunks, chunk_body, 0)
    wait_out(0)
    wait_out(1)


def kernel(edge_attr, emb0, emb1, emb2):
    e_count = edge_attr.shape[0]
    e_t = edge_attr.T
    e0, e1, e2 = e_t[0], e_t[1], e_t[2]
    per_tile = e_count // NW

    mesh = plsc.VectorSubcoreMesh(core_axis_name="c", subcore_axis_name="s")
    run = pl.kernel(
        _body,
        out_type=jax.ShapeDtypeStruct((e_count, HIDDEN), jnp.float32),
        mesh=mesh,
        scratch_types=[
            pltpu.VMEM_SHARED((100, HIDDEN), jnp.float32),
            pltpu.VMEM_SHARED((100, HIDDEN), jnp.float32),
            pltpu.VMEM_SHARED((100, HIDDEN), jnp.float32),
            pltpu.VMEM((per_tile,), jnp.int32),
            pltpu.VMEM((per_tile,), jnp.int32),
            pltpu.VMEM((per_tile,), jnp.int32),
            [[pltpu.VMEM((CHUNK, HIDDEN), jnp.float32) for _ in range(3)]
             for _ in range(2)],
            [pltpu.VMEM((CHUNK, HIDDEN), jnp.float32) for _ in range(2)],
            [pltpu.SemaphoreType.DMA for _ in range(2)],
            [pltpu.SemaphoreType.DMA for _ in range(2)],
        ],
    )
    return run(e0, e1, e2, emb0, emb1, emb2)

# --- scband reference (transcript-rebuilt; emitter-appended) ---
"""Pipeline reference for scband-bond-encoder-5557687681835 (READ-ONLY COPY).

The authoritative reference and input builder live on the scoring server;
editing this copy changes nothing except your own understanding.
"""

import jax, jax.numpy as jnp
import numpy as np

HIDDEN = 128
E = 320000

def setup_inputs(seed: int = 0) -> dict:
    key = jax.random.key(seed)
    k0, k1, k2, k3 = jax.random.split(key, 4)
    edge_attr = jax.random.randint(k0, (E, 3), 0, 100, dtype=jnp.int64) if jax.config.jax_enable_x64 else jax.random.randint(k0, (E, 3), 0, 100, dtype=jnp.int32)
    # Xavier uniform init for each embedding table (fan_in=100, fan_out=HIDDEN)
    limit = float(np.sqrt(6.0 / (100 + HIDDEN)))
    emb0 = jax.random.uniform(k1, (100, HIDDEN), dtype=jnp.float32, minval=-limit, maxval=limit)
    emb1 = jax.random.uniform(k2, (100, HIDDEN), dtype=jnp.float32, minval=-limit, maxval=limit)
    emb2 = jax.random.uniform(k3, (100, HIDDEN), dtype=jnp.float32, minval=-limit, maxval=limit)
    return {"edge_attr": edge_attr, "emb0": emb0, "emb1": emb1, "emb2": emb2}

def reference(edge_attr, emb0, emb1, emb2):
    if edge_attr.ndim == 1:
        edge_attr = edge_attr[:, None]
    tables = [emb0, emb1, emb2]
    out = 0
    for i in range(edge_attr.shape[1]):
        out = out + jnp.take(tables[i], edge_attr[:, i], axis=0)
    return out

if __name__ == "__main__":
    import jax
    _d = setup_inputs()
    print(jax.jit(kernel)(*tuple(_d.values())))

</pallas_src>

<mosaic_0001>
#map = affine_map<(d0, d1) -> (0)>
#map1 = affine_map<(d0, d1) -> (0, 0)>
module attributes {stable_mosaic.version = 14 : i64} {
  func.func @_body(%arg0: i32, %arg1: i32, %arg2: memref<320000xi32, #tpu.memory_space<hbm>>, %arg3: memref<320000xi32, #tpu.memory_space<hbm>>, %arg4: memref<320000xi32, #tpu.memory_space<hbm>>, %arg5: memref<100x128xf32, #tpu.memory_space<hbm>>, %arg6: memref<100x128xf32, #tpu.memory_space<hbm>>, %arg7: memref<100x128xf32, #tpu.memory_space<hbm>>, %arg8: memref<320000x128xf32, #tpu.memory_space<hbm>>, %arg9: memref<100x128xf32, #tpu.memory_space<vmem_shared>>, %arg10: memref<100x128xf32, #tpu.memory_space<vmem_shared>>, %arg11: memref<100x128xf32, #tpu.memory_space<vmem_shared>>, %arg12: memref<10000xi32, #tpu.memory_space<vmem>>, %arg13: memref<10000xi32, #tpu.memory_space<vmem>>, %arg14: memref<10000xi32, #tpu.memory_space<vmem>>, %arg15: memref<80x128xf32, #tpu.memory_space<vmem>>, %arg16: memref<80x128xf32, #tpu.memory_space<vmem>>, %arg17: memref<80x128xf32, #tpu.memory_space<vmem>>, %arg18: memref<80x128xf32, #tpu.memory_space<vmem>>, %arg19: memref<80x128xf32, #tpu.memory_space<vmem>>, %arg20: memref<80x128xf32, #tpu.memory_space<vmem>>, %arg21: memref<80x128xf32, #tpu.memory_space<vmem>>, %arg22: memref<80x128xf32, #tpu.memory_space<vmem>>, %arg23: memref<!tpu.dma_semaphore, #tpu.memory_space<semaphore_mem>>, %arg24: memref<!tpu.dma_semaphore, #tpu.memory_space<semaphore_mem>>, %arg25: memref<!tpu.dma_semaphore, #tpu.memory_space<semaphore_mem>>, %arg26: memref<!tpu.dma_semaphore, #tpu.memory_space<semaphore_mem>>) attributes {dimension_semantics = [#tpu.dimension_semantics<core_parallel>, #tpu.dimension_semantics<subcore_parallel>], iteration_bounds = array<i64: 2, 16>, scalar_prefetch = 0 : i64, scratch_operands = 18 : i64, tpu.core_type = #tpu.core_type<sc_vector_subcore>, window_params = [{transform_indices = #map}, {transform_indices = #map}, {transform_indices = #map}, {transform_indices = #map1}, {transform_indices = #map1}, {transform_indices = #map1}, {transform_indices = #map1}]} {
    %mul3A = arith.constant 2 : i32
    %mul3A_0 = arith.muli %arg1, %mul3A : i32
    %add3A = arith.addi %mul3A_0, %arg0 : i32
    %mul3A_1 = arith.constant 10000 : i32
    %mul3A_2 = arith.muli %add3A, %mul3A_1 : i32
    %eq3A = arith.constant 0 : i32
    %eq3A_3 = arith.cmpi eq, %arg1, %eq3A : i32
    %convert_element_type3A = arith.extui %eq3A_3 : i1 to i32
    %cond3A = arith.constant 0 : i32
    %cond3A_4 = arith.cmpi ne, %convert_element_type3A, %cond3A : i32
    scf.if %cond3A_4 {
      "tpu.region"() ({
        %run_scoped3A = tpu.sem_alloc : memref<!tpu.dma_semaphore, #tpu.memory_space<semaphore_mem>>
        tpu.enqueue_dma source(%arg5 : memref<100x128xf32, #tpu.memory_space<hbm>>) target(%arg9 : memref<100x128xf32, #tpu.memory_space<vmem_shared>>) target_semaphore(%run_scoped3A : memref<!tpu.dma_semaphore, #tpu.memory_space<semaphore_mem>>)
        tpu.wait_dma2 semaphore(%run_scoped3A : memref<!tpu.dma_semaphore, #tpu.memory_space<semaphore_mem>>) src(%arg5 : memref<100x128xf32, #tpu.memory_space<hbm>>) dst(%arg9 : memref<100x128xf32, #tpu.memory_space<vmem_shared>>)
        tpu.yield
      }) : () -> ()
      "tpu.region"() ({
        %run_scoped3A = tpu.sem_alloc : memref<!tpu.dma_semaphore, #tpu.memory_space<semaphore_mem>>
        tpu.enqueue_dma source(%arg6 : memref<100x128xf32, #tpu.memory_space<hbm>>) target(%arg10 : memref<100x128xf32, #tpu.memory_space<vmem_shared>>) target_semaphore(%run_scoped3A : memref<!tpu.dma_semaphore, #tpu.memory_space<semaphore_mem>>)
        tpu.wait_dma2 semaphore(%run_scoped3A : memref<!tpu.dma_semaphore, #tpu.memory_space<semaphore_mem>>) src(%arg6 : memref<100x128xf32, #tpu.memory_space<hbm>>) dst(%arg10 : memref<100x128xf32, #tpu.memory_space<vmem_shared>>)
        tpu.yield
      }) : () -> ()
      "tpu.region"() ({
        %run_scoped3A = tpu.sem_alloc : memref<!tpu.dma_semaphore, #tpu.memory_space<semaphore_mem>>
        tpu.enqueue_dma source(%arg7 : memref<100x128xf32, #tpu.memory_space<hbm>>) target(%arg11 : memref<100x128xf32, #tpu.memory_space<vmem_shared>>) target_semaphore(%run_scoped3A : memref<!tpu.dma_semaphore, #tpu.memory_space<semaphore_mem>>)
        tpu.wait_dma2 semaphore(%run_scoped3A : memref<!tpu.dma_semaphore, #tpu.memory_space<semaphore_mem>>) src(%arg7 : memref<100x128xf32, #tpu.memory_space<hbm>>) dst(%arg11 : memref<100x128xf32, #tpu.memory_space<vmem_shared>>)
        tpu.yield
      }) : () -> ()
    } else {
    }
    "tpu.region"() ({
      %run_scoped3A = tpu.sem_alloc : memref<!tpu.dma_semaphore, #tpu.memory_space<semaphore_mem>>
      %dma_start3A_47 = tpu.memref_slice %arg2[%mul3A_2] : memref<320000xi32, #tpu.memory_space<hbm>> -> memref<10000xi32, #tpu.memory_space<hbm>>
      %dma_start3A_48 = tpu.memref_slice %arg2[%mul3A_2] : memref<320000xi32, #tpu.memory_space<hbm>> -> memref<10000xi32, #tpu.memory_space<hbm>>
      tpu.enqueue_dma source(%dma_start3A_48 : memref<10000xi32, #tpu.memory_space<hbm>>) target(%arg12 : memref<10000xi32, #tpu.memory_space<vmem>>) target_semaphore(%run_scoped3A : memref<!tpu.dma_semaphore, #tpu.memory_space<semaphore_mem>>)
      %dma_wait3A_49 = tpu.memref_slice %arg2[%mul3A_2] : memref<320000xi32, #tpu.memory_space<hbm>> -> memref<10000xi32, #tpu.memory_space<hbm>>
      %dma_wait3A_50 = tpu.memref_slice %arg2[%mul3A_2] : memref<320000xi32, #tpu.memory_space<hbm>> -> memref<10000xi32, #tpu.memory_space<hbm>>
      tpu.wait_dma2 semaphore(%run_scoped3A : memref<!tpu.dma_semaphore, #tpu.memory_space<semaphore_mem>>) src(%dma_wait3A_50 : memref<10000xi32, #tpu.memory_space<hbm>>) dst(%arg12 : memref<10000xi32, #tpu.memory_space<vmem>>)
      tpu.yield
    }) : () -> ()
    "tpu.region"() ({
      %run_scoped3A = tpu.sem_alloc : memref<!tpu.dma_semaphore, #tpu.memory_space<semaphore_mem>>
      %dma_start3A_47 = tpu.memref_slice %arg3[%mul3A_2] : memref<320000xi32, #tpu.memory_space<hbm>> -> memref<10000xi32, #tpu.memory_space<hbm>>
      %dma_start3A_48 = tpu.memref_slice %arg3[%mul3A_2] : memref<320000xi32, #tpu.memory_space<hbm>> -> memref<10000xi32, #tpu.memory_space<hbm>>
      tpu.enqueue_dma source(%dma_start3A_48 : memref<10000xi32, #tpu.memory_space<hbm>>) target(%arg13 : memref<10000xi32, #tpu.memory_space<vmem>>) target_semaphore(%run_scoped3A : memref<!tpu.dma_semaphore, #tpu.memory_space<semaphore_mem>>)
      %dma_wait3A_49 = tpu.memref_slice %arg3[%mul3A_2] : memref<320000xi32, #tpu.memory_space<hbm>> -> memref<10000xi32, #tpu.memory_space<hbm>>
      %dma_wait3A_50 = tpu.memref_slice %arg3[%mul3A_2] : memref<320000xi32, #tpu.memory_space<hbm>> -> memref<10000xi32, #tpu.memory_space<hbm>>
      tpu.wait_dma2 semaphore(%run_scoped3A : memref<!tpu.dma_semaphore, #tpu.memory_space<semaphore_mem>>) src(%dma_wait3A_50 : memref<10000xi32, #tpu.memory_space<hbm>>) dst(%arg13 : memref<10000xi32, #tpu.memory_space<vmem>>)
      tpu.yield
    }) : () -> ()
    "tpu.region"() ({
      %run_scoped3A = tpu.sem_alloc : memref<!tpu.dma_semaphore, #tpu.memory_space<semaphore_mem>>
      %dma_start3A_47 = tpu.memref_slice %arg4[%mul3A_2] : memref<320000xi32, #tpu.memory_space<hbm>> -> memref<10000xi32, #tpu.memory_space<hbm>>
      %dma_start3A_48 = tpu.memref_slice %arg4[%mul3A_2] : memref<320000xi32, #tpu.memory_space<hbm>> -> memref<10000xi32, #tpu.memory_space<hbm>>
      tpu.enqueue_dma source(%dma_start3A_48 : memref<10000xi32, #tpu.memory_space<hbm>>) target(%arg14 : memref<10000xi32, #tpu.memory_space<vmem>>) target_semaphore(%run_scoped3A : memref<!tpu.dma_semaphore, #tpu.memory_space<semaphore_mem>>)
      %dma_wait3A_49 = tpu.memref_slice %arg4[%mul3A_2] : memref<320000xi32, #tpu.memory_space<hbm>> -> memref<10000xi32, #tpu.memory_space<hbm>>
      %dma_wait3A_50 = tpu.memref_slice %arg4[%mul3A_2] : memref<320000xi32, #tpu.memory_space<hbm>> -> memref<10000xi32, #tpu.memory_space<hbm>>
      tpu.wait_dma2 semaphore(%run_scoped3A : memref<!tpu.dma_semaphore, #tpu.memory_space<semaphore_mem>>) src(%dma_wait3A_50 : memref<10000xi32, #tpu.memory_space<hbm>>) dst(%arg14 : memref<10000xi32, #tpu.memory_space<vmem>>)
      tpu.yield
    }) : () -> ()
    %barrier3A = arith.constant 0 : index
    tpu.barrier barrier_id(%barrier3A)
    %dma_start3A = arith.constant 0 : i32
    %dma_start3A_5 = tpu.memref_slice %arg12[%dma_start3A] : memref<10000xi32, #tpu.memory_space<vmem>> -> memref<80xi32, #tpu.memory_space<vmem>>
    %dma_start3A_6 = arith.constant 0 : i32
    %dma_start3A_7 = arith.constant 0 : i32
    %dma_start3A_8 = tpu.memref_slice %arg9[%dma_start3A_6, %dma_start3A_7] : memref<100x128xf32, #tpu.memory_space<vmem_shared>> -> memref<100x128xf32, #tpu.memory_space<vmem_shared>>
    tpu.enqueue_indirect_dma source(%dma_start3A_8 : memref<100x128xf32, #tpu.memory_space<vmem_shared>>) target(%arg15 : memref<80x128xf32, #tpu.memory_space<vmem>>) offsets(%dma_start3A_5 : memref<80xi32, #tpu.memory_space<vmem>>) semaphore(%arg23 : memref<!tpu.dma_semaphore, #tpu.memory_space<semaphore_mem>>)
    %dma_start3A_9 = arith.constant 0 : i32
    %dma_start3A_10 = tpu.memref_slice %arg13[%dma_start3A_9] : memref<10000xi32, #tpu.memory_space<vmem>> -> memref<80xi32, #tpu.memory_space<vmem>>
    %dma_start3A_11 = arith.constant 0 : i32
    %dma_start3A_12 = arith.constant 0 : i32
    %dma_start3A_13 = tpu.memref_slice %arg10[%dma_start3A_11, %dma_start3A_12] : memref<100x128xf32, #tpu.memory_space<vmem_shared>> -> memref<100x128xf32, #tpu.memory_space<vmem_shared>>
    tpu.enqueue_indirect_dma source(%dma_start3A_13 : memref<100x128xf32, #tpu.memory_space<vmem_shared>>) target(%arg16 : memref<80x128xf32, #tpu.memory_space<vmem>>) offsets(%dma_start3A_10 : memref<80xi32, #tpu.memory_space<vmem>>) semaphore(%arg23 : memref<!tpu.dma_semaphore, #tpu.memory_space<semaphore_mem>>)
    %dma_start3A_14 = arith.constant 0 : i32
    %dma_start3A_15 = tpu.memref_slice %arg14[%dma_start3A_14] : memref<10000xi32, #tpu.memory_space<vmem>> -> memref<80xi32, #tpu.memory_space<vmem>>
    %dma_start3A_16 = arith.constant 0 : i32
    %dma_start3A_17 = arith.constant 0 : i32
    %dma_start3A_18 = tpu.memref_slice %arg11[%dma_start3A_16, %dma_start3A_17] : memref<100x128xf32, #tpu.memory_space<vmem_shared>> -> memref<100x128xf32, #tpu.memory_space<vmem_shared>>
    tpu.enqueue_indirect_dma source(%dma_start3A_18 : memref<100x128xf32, #tpu.memory_space<vmem_shared>>) target(%arg17 : memref<80x128xf32, #tpu.memory_space<vmem>>) offsets(%dma_start3A_15 : memref<80xi32, #tpu.memory_space<vmem>>) semaphore(%arg23 : memref<!tpu.dma_semaphore, #tpu.memory_space<semaphore_mem>>)
    %dma_start3A_19 = arith.constant 80 : i32
    %dma_start3A_20 = tpu.memref_slice %arg12[%dma_start3A_19] : memref<10000xi32, #tpu.memory_space<vmem>> -> memref<80xi32, #tpu.memory_space<vmem>>
    %dma_start3A_21 = arith.constant 0 : i32
    %dma_start3A_22 = arith.constant 0 : i32
    %dma_start3A_23 = tpu.memref_slice %arg9[%dma_start3A_21, %dma_start3A_22] : memref<100x128xf32, #tpu.memory_space<vmem_shared>> -> memref<100x128xf32, #tpu.memory_space<vmem_shared>>
    tpu.enqueue_indirect_dma source(%dma_start3A_23 : memref<100x128xf32, #tpu.memory_space<vmem_shared>>) target(%arg18 : memref<80x128xf32, #tpu.memory_space<vmem>>) offsets(%dma_start3A_20 : memref<80xi32, #tpu.memory_space<vmem>>) semaphore(%arg24 : memref<!tpu.dma_semaphore, #tpu.memory_space<semaphore_mem>>)
    %dma_start3A_24 = arith.constant 80 : i32
    %dma_start3A_25 = tpu.memref_slice %arg13[%dma_start3A_24] : memref<10000xi32, #tpu.memory_space<vmem>> -> memref<80xi32, #tpu.memory_space<vmem>>
    %dma_start3A_26 = arith.constant 0 : i32
    %dma_start3A_27 = arith.constant 0 : i32
    %dma_start3A_28 = tpu.memref_slice %arg10[%dma_start3A_26, %dma_start3A_27] : memref<100x128xf32, #tpu.memory_space<vmem_shared>> -> memref<100x128xf32, #tpu.memory_space<vmem_shared>>
    tpu.enqueue_indirect_dma source(%dma_start3A_28 : memref<100x128xf32, #tpu.memory_space<vmem_shared>>) target(%arg19 : memref<80x128xf32, #tpu.memory_space<vmem>>) offsets(%dma_start3A_25 : memref<80xi32, #tpu.memory_space<vmem>>) semaphore(%arg24 : memref<!tpu.dma_semaphore, #tpu.memory_space<semaphore_mem>>)
    %dma_start3A_29 = arith.constant 80 : i32
    %dma_start3A_30 = tpu.memref_slice %arg14[%dma_start3A_29] : memref<10000xi32, #tpu.memory_space<vmem>> -> memref<80xi32, #tpu.memory_space<vmem>>
    %dma_start3A_31 = arith.constant 0 : i32
    %dma_start3A_32 = arith.constant 0 : i32
    %dma_start3A_33 = tpu.memref_slice %arg11[%dma_start3A_31, %dma_start3A_32] : memref<100x128xf32, #tpu.memory_space<vmem_shared>> -> memref<100x128xf32, #tpu.memory_space<vmem_shared>>
    tpu.enqueue_indirect_dma source(%dma_start3A_33 : memref<100x128xf32, #tpu.memory_space<vmem_shared>>) target(%arg20 : memref<80x128xf32, #tpu.memory_space<vmem>>) offsets(%dma_start3A_30 : memref<80xi32, #tpu.memory_space<vmem>>) semaphore(%arg24 : memref<!tpu.dma_semaphore, #tpu.memory_space<semaphore_mem>>)
    %scan3A = arith.constant 0 : i32
    %scan3A_34 = arith.constant 0 : i32
    %scan3A_35 = arith.constant 125 : i32
    %scan3A_36 = arith.addi %scan3A_34, %scan3A_35 : i32
    %scan3A_37 = arith.constant 1 : i32
    %scan3A_38 = scf.for %scan3A_47 = %scan3A_34 to %scan3A_36 step %scan3A_37 iter_args(%scan3A_48 = %scan3A) -> (i32)  : i32 {
      %rem3A = arith.constant 2 : i32
      %rem3A_49 = arith.remsi %scan3A_47, %rem3A : i32
      %eq3A_50 = arith.constant 0 : i32
      %eq3A_51 = arith.cmpi eq, %rem3A_49, %eq3A_50 : i32
      %convert_element_type3A_52 = arith.extui %eq3A_51 : i1 to i32
      %cond3A_53 = arith.constant 0 : i32
      %cond3A_54 = arith.cmpi ne, %convert_element_type3A_52, %cond3A_53 : i32
      scf.if %cond3A_54 {
        %dma_wait3A_61 = arith.constant 0 : i32
        %dma_wait3A_62 = tpu.memref_slice %arg12[%dma_wait3A_61] : memref<10000xi32, #tpu.memory_space<vmem>> -> memref<80xi32, #tpu.memory_space<vmem>>
        %dma_wait3A_63 = arith.constant 0 : i32
        %dma_wait3A_64 = arith.constant 0 : i32
        %dma_wait3A_65 = tpu.memref_slice %arg9[%dma_wait3A_63, %dma_wait3A_64] : memref<100x128xf32, #tpu.memory_space<vmem_shared>> -> memref<100x128xf32, #tpu.memory_space<vmem_shared>>
        tpu.wait_indirect_dma semaphore(%arg23 : memref<!tpu.dma_semaphore, #tpu.memory_space<semaphore_mem>>) src(%dma_wait3A_65 : memref<100x128xf32, #tpu.memory_space<vmem_shared>>) dst(%arg15 : memref<80x128xf32, #tpu.memory_space<vmem>>)
        %dma_wait3A_66 = arith.constant 0 : i32
        %dma_wait3A_67 = tpu.memref_slice %arg13[%dma_wait3A_66] : memref<10000xi32, #tpu.memory_space<vmem>> -> memref<80xi32, #tpu.memory_space<vmem>>
        %dma_wait3A_68 = arith.constant 0 : i32
        %dma_wait3A_69 = arith.constant 0 : i32
        %dma_wait3A_70 = tpu.memref_slice %arg10[%dma_wait3A_68, %dma_wait3A_69] : memref<100x128xf32, #tpu.memory_space<vmem_shared>> -> memref<100x128xf32, #tpu.memory_space<vmem_shared>>
        tpu.wait_indirect_dma semaphore(%arg23 : memref<!tpu.dma_semaphore, #tpu.memory_space<semaphore_mem>>) src(%dma_wait3A_70 : memref<100x128xf32, #tpu.memory_space<vmem_shared>>) dst(%arg16 : memref<80x128xf32, #tpu.memory_space<vmem>>)
        %dma_wait3A_71 = arith.constant 0 : i32
        %dma_wait3A_72 = tpu.memref_slice %arg14[%dma_wait3A_71] : memref<10000xi32, #tpu.memory_space<vmem>> -> memref<80xi32, #tpu.memory_space<vmem>>
        %dma_wait3A_73 = arith.constant 0 : i32
        %dma_wait3A_74 = arith.constant 0 : i32
        %dma_wait3A_75 = tpu.memref_slice %arg11[%dma_wait3A_73, %dma_wait3A_74] : memref<100x128xf32, #tpu.memory_space<vmem_shared>> -> memref<100x128xf32, #tpu.memory_space<vmem_shared>>
        tpu.wait_indirect_dma semaphore(%arg23 : memref<!tpu.dma_semaphore, #tpu.memory_space<semaphore_mem>>) src(%dma_wait3A_75 : memref<100x128xf32, #tpu.memory_space<vmem_shared>>) dst(%arg17 : memref<80x128xf32, #tpu.memory_space<vmem>>)
        %ge3A = arith.constant 2 : i32
        %ge3A_76 = arith.cmpi sge, %scan3A_47, %ge3A : i32
        %convert_element_type3A_77 = arith.extui %ge3A_76 : i1 to i32
        %cond3A_78 = arith.constant 0 : i32
        %cond3A_79 = arith.cmpi ne, %convert_element_type3A_77, %cond3A_78 : i32
        scf.if %cond3A_79 {
          %dma_wait3A_95 = arith.constant 0 : i32
          %dma_wait3A_96 = tpu.memref_slice %arg8[%mul3A_2, %dma_wait3A_95] : memref<320000x128xf32, #tpu.memory_space<hbm>> -> memref<80x128xf32, #tpu.memory_space<hbm>>
          %dma_wait3A_97 = arith.constant 0 : i32
          %dma_wait3A_98 = tpu.memref_slice %arg8[%mul3A_2, %dma_wait3A_97] : memref<320000x128xf32, #tpu.memory_space<hbm>> -> memref<80x128xf32, #tpu.memory_space<hbm>>
          tpu.wait_dma2 semaphore(%arg25 : memref<!tpu.dma_semaphore, #tpu.memory_space<semaphore_mem>>) src(%arg21 : memref<80x128xf32, #tpu.memory_space<vmem>>) dst(%dma_wait3A_98 : memref<80x128xf32, #tpu.memory_space<hbm>>)
        } else {
        }
        %parallel_loop3A = arith.constant 0 : i32
        %parallel_loop3A_80 = arith.constant 80 : i32
        %parallel_loop3A_81 = arith.constant 1 : i32
        scf.for %parallel_loop3A_95 = %parallel_loop3A to %parallel_loop3A_80 step %parallel_loop3A_81  : i32 {
          %parallel_loop3A_96 = arith.index_cast %parallel_loop3A_95 : i32 to index
          %parallel_loop3A_97 = arith.constant 0 : index
          %parallel_loop3A_98 = tpu.vector_load %arg15[%parallel_loop3A_96, %parallel_loop3A_97] {strides = array<i32>} : memref<80x128xf32, #tpu.memory_space<vmem>>, vector<1x16xf32>,
          %parallel_loop3A_99 = vector.shape_cast %parallel_loop3A_98 : vector<1x16xf32> to vector<16xf32>
          %parallel_loop3A_100 = arith.index_cast %parallel_loop3A_95 : i32 to index
          %parallel_loop3A_101 = arith.constant 0 : index
          %parallel_loop3A_102 = tpu.vector_load %arg16[%parallel_loop3A_100, %parallel_loop3A_101] {strides = array<i32>} : memref<80x128xf32, #tpu.memory_space<vmem>>, vector<1x16xf32>,
          %parallel_loop3A_103 = vector.shape_cast %parallel_loop3A_102 : vector<1x16xf32> to vector<16xf32>
          %parallel_loop3A_104 = arith.addf %parallel_loop3A_99, %parallel_loop3A_103 : vector<16xf32>
          %parallel_loop3A_105 = arith.index_cast %parallel_loop3A_95 : i32 to index
          %parallel_loop3A_106 = arith.constant 0 : index
          %parallel_loop3A_107 = tpu.vector_load %arg17[%parallel_loop3A_105, %parallel_loop3A_106] {strides = array<i32>} : memref<80x128xf32, #tpu.memory_space<vmem>>, vector<1x16xf32>,
          %parallel_loop3A_108 = vector.shape_cast %parallel_loop3A_107 : vector<1x16xf32> to vector<16xf32>
          %parallel_loop3A_109 = arith.addf %parallel_loop3A_104, %parallel_loop3A_108 : vector<16xf32>
          %parallel_loop3A_110 = arith.index_cast %parallel_loop3A_95 : i32 to index
          %parallel_loop3A_111 = arith.constant 0 : index
          %parallel_loop3A_112 = tpu.vector_load %arg21[%parallel_loop3A_110, %parallel_loop3A_111] {strides = array<i32>} : memref<80x128xf32, #tpu.memory_space<vmem>>, vector<1x16xf32>,
          %parallel_loop3A_113 = vector.shape_cast %parallel_loop3A_112 : vector<1x16xf32> to vector<16xf32>
          %parallel_loop3A_114 = vector.shape_cast %parallel_loop3A_109 : vector<16xf32> to vector<1x16xf32>
          tpu.vector_store %arg21[%parallel_loop3A_110, %parallel_loop3A_111], %parallel_loop3A_114 {strides = array<i32>} : memref<80x128xf32, #tpu.memory_space<vmem>>, vector<1x16xf32>,
          %parallel_loop3A_115 = arith.index_cast %parallel_loop3A_95 : i32 to index
          %parallel_loop3A_116 = arith.constant 16 : index
          %parallel_loop3A_117 = tpu.vector_load %arg15[%parallel_loop3A_115, %parallel_loop3A_116] {strides = array<i32>} : memref<80x128xf32, #tpu.memory_space<vmem>>, vector<1x16xf32>,
          %parallel_loop3A_118 = vector.shape_cast %parallel_loop3A_117 : vector<1x16xf32> to vector<16xf32>
          %parallel_loop3A_119 = arith.index_cast %parallel_loop3A_95 : i32 to index
          %parallel_loop3A_120 = arith.constant 16 : index
          %parallel_loop3A_121 = tpu.vector_load %arg16[%parallel_loop3A_119, %parallel_loop3A_120] {strides = array<i32>} : memref<80x128xf32, #tpu.memory_space<vmem>>, vector<1x16xf32>,
          %parallel_loop3A_122 = vector.shape_cast %parallel_loop3A_121 : vector<1x16xf32> to vector<16xf32>
          %parallel_loop3A_123 = arith.addf %parallel_loop3A_118, %parallel_loop3A_122 : vector<16xf32>
          %parallel_loop3A_124 = arith.index_cast %parallel_loop3A_95 : i32 to index
          %parallel_loop3A_125 = arith.constant 16 : index
          %parallel_loop3A_126 = tpu.vector_load %arg17[%parallel_loop3A_124, %parallel_loop3A_125] {strides = array<i32>} : memref<80x128xf32, #tpu.memory_space<vmem>>, vector<1x16xf32>,
          %parallel_loop3A_127 = vector.shape_cast %parallel_loop3A_126 : vector<1x16xf32> to vector<16xf32>
          %parallel_loop3A_128 = arith.addf %parallel_loop3A_123, %parallel_loop3A_127 : vector<16xf32>
          %parallel_loop3A_129 = arith.index_cast %parallel_loop3A_95 : i32 to index
          %parallel_loop3A_130 = arith.constant 16 : index
          %parallel_loop3A_131 = tpu.vector_load %arg21[%parallel_loop3A_129, %parallel_loop3A_130] {strides = array<i32>} : memref<80x128xf32, #tpu.memory_space<vmem>>, vector<1x16xf32>,
          %parallel_loop3A_132 = vector.shape_cast %parallel_loop3A_131 : vector<1x16xf32> to vector<16xf32>
          %parallel_loop3A_133 = vector.shape_cast %parallel_loop3A_128 : vector<16xf32> to vector<1x16xf32>
          tpu.vector_store %arg21[%parallel_loop3A_129, %parallel_loop3A_130], %parallel_loop3A_133 {strides = array<i32>} : memref<80x128xf32, #tpu.memory_space<vmem>>, vector<1x16xf32>,
          %parallel_loop3A_134 = arith.index_cast %parallel_loop3A_95 : i32 to index
          %parallel_loop3A_135 = arith.constant 32 : index
          %parallel_loop3A_136 = tpu.vector_load %arg15[%parallel_loop3A_134, %parallel_loop3A_135] {strides = array<i32>} : memref<80x128xf32, #tpu.memory_space<vmem>>, vector<1x16xf32>,
          %parallel_loop3A_137 = vector.shape_cast %parallel_loop3A_136 : vector<1x16xf32> to vector<16xf32>
          %parallel_loop3A_138 = arith.index_cast %parallel_loop3A_95 : i32 to index
          %parallel_loop3A_139 = arith.constant 32 : index
          %parallel_loop3A_140 = tpu.vector_load %arg16[%parallel_loop3A_138, %parallel_loop3A_139] {strides = array<i32>} : memref<80x128xf32, #tpu.memory_space<vmem>>, vector<1x16xf32>,
          %parallel_loop3A_141 = vector.shape_cast %parallel_loop3A_140 : vector<1x16xf32> to vector<16xf32>
          %parallel_loop3A_142 = arith.addf %parallel_loop3A_137, %parallel_loop3A_141 : vector<16xf32>
          %parallel_loop3A_143 = arith.index_cast %parallel_loop3A_95 : i32 to index
          %parallel_loop3A_144 = arith.constant 32 : index
          %parallel_loop3A_145 = tpu.vector_load %arg17[%parallel_loop3A_143, %parallel_loop3A_144] {strides = array<i32>} : memref<80x128xf32, #tpu.memory_space<vmem>>, vector<1x16xf32>,
          %parallel_loop3A_146 = vector.shape_cast %parallel_loop3A_145 : vector<1x16xf32> to vector<16xf32>
          %parallel_loop3A_147 = arith.addf %parallel_loop3A_142, %parallel_loop3A_146 : vector<16xf32>
          %parallel_loop3A_148 = arith.index_cast %parallel_loop3A_95 : i32 to index
          %parallel_loop3A_149 = arith.constant 32 : index
          %parallel_loop3A_150 = tpu.vector_load %arg21[%parallel_loop3A_148, %parallel_loop3A_149] {strides = array<i32>} : memref<80x128xf32, #tpu.memory_space<vmem>>, vector<1x16xf32>,
          %parallel_loop3A_151 = vector.shape_cast %parallel_loop3A_150 : vector<1x16xf32> to vector<16xf32>
          %parallel_loop3A_152 = vector.shape_cast %parallel_loop3A_147 : vector<16xf32> to vector<1x16xf32>
          tpu.vector_store %arg21[%parallel_loop3A_148, %parallel_loop3A_149], %parallel_loop3A_152 {strides = array<i32>} : memref<80x128xf32, #tpu.memory_space<vmem>>, vector<1x16xf32>,
          %parallel_loop3A_153 = arith.index_cast %parallel_loop3A_95 : i32 to index
          %parallel_loop3A_154 = arith.constant 48 : index
          %parallel_loop3A_155 = tpu.vector_load %arg15[%parallel_loop3A_153, %parallel_loop3A_154] {strides = array<i32>} : memref<80x128xf32, #tpu.memory_space<vmem>>, vector<1x16xf32>,
          %parallel_loop3A_156 = vector.shape_cast %parallel_loop3A_155 : vector<1x16xf32> to vector<16xf32>
          %parallel_loop3A_157 = arith.index_cast %parallel_loop3A_95 : i32 to index
          %parallel_loop3A_158 = arith.constant 48 : index
          %parallel_loop3A_159 = tpu.vector_load %arg16[%parallel_loop3A_157, %parallel_loop3A_158] {strides = array<i32>} : memref<80x128xf32, #tpu.memory_space<vmem>>, vector<1x16xf32>,
          %parallel_loop3A_160 = vector.shape_cast %parallel_loop3A_159 : vector<1x16xf32> to vector<16xf32>
          %parallel_loop3A_161 = arith.addf %parallel_loop3A_156, %parallel_loop3A_160 : vector<16xf32>
          %parallel_loop3A_162 = arith.index_cast %parallel_loop3A_95 : i32 to index
          %parallel_loop3A_163 = arith.constant 48 : index
          %parallel_loop3A_164 = tpu.vector_load %arg17[%parallel_loop3A_162, %parallel_loop3A_163] {strides = array<i32>} : memref<80x128xf32, #tpu.memory_space<vmem>>, vector<1x16xf32>,
          %parallel_loop3A_165 = vector.shape_cast %parallel_loop3A_164 : vector<1x16xf32> to vector<16xf32>
          %parallel_loop3A_166 = arith.addf %parallel_loop3A_161, %parallel_loop3A_165 : vector<16xf32>
          %parallel_loop3A_167 = arith.index_cast %parallel_loop3A_95 : i32 to index
          %parallel_loop3A_168 = arith.constant 48 : index
          %parallel_loop3A_169 = tpu.vector_load %arg21[%parallel_loop3A_167, %parallel_loop3A_168] {strides = array<i32>} : memref<80x128xf32, #tpu.memory_space<vmem>>, vector<1x16xf32>,
          %parallel_loop3A_170 = vector.shape_cast %parallel_loop3A_169 : vector<1x16xf32> to vector<16xf32>
          %parallel_loop3A_171 = vector.shape_cast %parallel_loop3A_166 : vector<16xf32> to vector<1x16xf32>
          tpu.vector_store %arg21[%parallel_loop3A_167, %parallel_loop3A_168], %parallel_loop3A_171 {strides = array<i32>} : memref<80x128xf32, #tpu.memory_space<vmem>>, vector<1x16xf32>,
          %parallel_loop3A_172 = arith.index_cast %parallel_loop3A_95 : i32 to index
          %parallel_loop3A_173 = arith.constant 64 : index
          %parallel_loop3A_174 = tpu.vector_load %arg15[%parallel_loop3A_172, %parallel_loop3A_173] {strides = array<i32>} : memref<80x128xf32, #tpu.memory_space<vmem>>, vector<1x16xf32>,
          %parallel_loop3A_175 = vector.shape_cast %parallel_loop3A_174 : vector<1x16xf32> to vector<16xf32>
          %parallel_loop3A_176 = arith.index_cast %parallel_loop3A_95 : i32 to index
          %parallel_loop3A_177 = arith.constant 64 : index
          %parallel_loop3A_178 = tpu.vector_load %arg16[%parallel_loop3A_176, %parallel_loop3A_177] {strides = array<i32>} : memref<80x128xf32, #tpu.memory_space<vmem>>, vector<1x16xf32>,
          %parallel_loop3A_179 = vector.shape_cast %parallel_loop3A_178 : vector<1x16xf32> to vector<16xf32>
          %parallel_loop3A_180 = arith.addf %parallel_loop3A_175, %parallel_loop3A_179 : vector<16xf32>
          %parallel_loop3A_181 = arith.index_cast %parallel_loop3A_95 : i32 to index
          %parallel_loop3A_182 = arith.constant 64 : index
          %parallel_loop3A_183 = tpu.vector_load %arg17[%parallel_loop3A_181, %parallel_loop3A_182] {strides = array<i32>} : memref<80x128xf32, #tpu.memory_space<vmem>>, vector<1x16xf32>,
          %parallel_loop3A_184 = vector.shape_cast %parallel_loop3A_183 : vector<1x16xf32> to vector<16xf32>
          %parallel_loop3A_185 = arith.addf %parallel_loop3A_180, %parallel_loop3A_184 : vector<16xf32>
          %parallel_loop3A_186 = arith.index_cast %parallel_loop3A_95 : i32 to index
          %parallel_loop3A_187 = arith.constant 64 : index
          %parallel_loop3A_188 = tpu.vector_load %arg21[%parallel_loop3A_186, %parallel_loop3A_187] {strides = array<i32>} : memref<80x128xf32, #tpu.memory_space<vmem>>, vector<1x16xf32>,
          %parallel_loop3A_189 = vector.shape_cast %parallel_loop3A_188 : vector<1x16xf32> to vector<16xf32>
          %parallel_loop3A_190 = vector.shape_cast %parallel_loop3A_185 : vector<16xf32> to vector<1x16xf32>
          tpu.vector_store %arg21[%parallel_loop3A_186, %parallel_loop3A_187], %parallel_loop3A_190 {strides = array<i32>} : memref<80x128xf32, #tpu.memory_space<vmem>>, vector<1x16xf32>,
          %parallel_loop3A_191 = arith.index_cast %parallel_loop3A_95 : i32 to index
          %parallel_loop3A_192 = arith.constant 80 : index
          %parallel_loop3A_193 = tpu.vector_load %arg15[%parallel_loop3A_191, %parallel_loop3A_192] {strides = array<i32>} : memref<80x128xf32, #tpu.memory_space<vmem>>, vector<1x16xf32>,
          %parallel_loop3A_194 = vector.shape_cast %parallel_loop3A_193 : vector<1x16xf32> to vector<16xf32>
          %parallel_loop3A_195 = arith.index_cast %parallel_loop3A_95 : i32 to index
          %parallel_loop3A_196 = arith.constant 80 : index
          %parallel_loop3A_197 = tpu.vector_load %arg16[%parallel_loop3A_195, %parallel_loop3A_196] {strides = array<i32>} : memref<80x128xf32, #tpu.memory_space<vmem>>, vector<1x16xf32>,
          %parallel_loop3A_198 = vector.shape_cast %parallel_loop3A_197 : vector<1x16xf32> to vector<16xf32>
          %parallel_loop3A_199 = arith.addf %parallel_loop3A_194, %parallel_loop3A_198 : vector<16xf32>
          %parallel_loop3A_200 = arith.index_cast %parallel_loop3A_95 : i32 to index
          %parallel_loop3A_201 = arith.constant 80 : index
          %parallel_loop3A_202 = tpu.vector_load %arg17[%parallel_loop3A_200, %parallel_loop3A_201] {strides = array<i32>} : memref<80x128xf32, #tpu.memory_space<vmem>>, vector<1x16xf32>,
          %parallel_loop3A_203 = vector.shape_cast %parallel_loop3A_202 : vector<1x16xf32> to vector<16xf32>
          %parallel_loop3A_204 = arith.addf %parallel_loop3A_199, %parallel_loop3A_203 : vector<16xf32>
          %parallel_loop3A_205 = arith.index_cast %parallel_loop3A_95 : i32 to index
          %parallel_loop3A_206 = arith.constant 80 : index
          %parallel_loop3A_207 = tpu.vector_load %arg21[%parallel_loop3A_205, %parallel_loop3A_206] {strides = array<i32>} : memref<80x128xf32, #tpu.memory_space<vmem>>, vector<1x16xf32>,
          %parallel_loop3A_208 = vector.shape_cast %parallel_loop3A_207 : vector<1x16xf32> to vector<16xf32>
          %parallel_loop3A_209 = vector.shape_cast %parallel_loop3A_204 : vector<16xf32> to vector<1x16xf32>
          tpu.vector_store %arg21[%parallel_loop3A_205, %parallel_loop3A_206], %parallel_loop3A_209 {strides = array<i32>} : memref<80x128xf32, #tpu.memory_space<vmem>>, vector<1x16xf32>,
          %parallel_loop3A_210 = arith.index_cast %parallel_loop3A_95 : i32 to index
          %parallel_loop3A_211 = arith.constant 96 : index
          %parallel_loop3A_212 = tpu.vector_load %arg15[%parallel_loop3A_210, %parallel_loop3A_211] {strides = array<i32>} : memref<80x128xf32, #tpu.memory_space<vmem>>, vector<1x16xf32>,
          %parallel_loop3A_213 = vector.shape_cast %parallel_loop3A_212 : vector<1x16xf32> to vector<16xf32>
          %parallel_loop3A_214 = arith.index_cast %parallel_loop3A_95 : i32 to index
          %parallel_loop3A_215 = arith.constant 96 : index
          %parallel_loop3A_216 = tpu.vector_load %arg16[%parallel_loop3A_214, %parallel_loop3A_215] {strides = array<i32>} : memref<80x128xf32, #tpu.memory_space<vmem>>, vector<1x16xf32>,
          %parallel_loop3A_217 = vector.shape_cast %parallel_loop3A_216 : vector<1x16xf32> to vector<16xf32>
          %parallel_loop3A_218 = arith.addf %parallel_loop3A_213, %parallel_loop3A_217 : vector<16xf32>
          %parallel_loop3A_219 = arith.index_cast %parallel_loop3A_95 : i32 to index
          %parallel_loop3A_220 = arith.constant 96 : index
          %parallel_loop3A_221 = tpu.vector_load %arg17[%parallel_loop3A_219, %parallel_loop3A_220] {strides = array<i32>} : memref<80x128xf32, #tpu.memory_space<vmem>>, vector<1x16xf32>,
          %parallel_loop3A_222 = vector.shape_cast %parallel_loop3A_221 : vector<1x16xf32> to vector<16xf32>
          %parallel_loop3A_223 = arith.addf %parallel_loop3A_218, %parallel_loop3A_222 : vector<16xf32>
          %parallel_loop3A_224 = arith.index_cast %parallel_loop3A_95 : i32 to index
          %parallel_loop3A_225 = arith.constant 96 : index
          %parallel_loop3A_226 = tpu.vector_load %arg21[%parallel_loop3A_224, %parallel_loop3A_225] {strides = array<i32>} : memref<80x128xf32, #tpu.memory_space<vmem>>, vector<1x16xf32>,
          %parallel_loop3A_227 = vector.shape_cast %parallel_loop3A_226 : vector<1x16xf32> to vector<16xf32>
          %parallel_loop3A_228 = vector.shape_cast %parallel_loop3A_223 : vector<16xf32> to vector<1x16xf32>
          tpu.vector_store %arg21[%parallel_loop3A_224, %parallel_loop3A_225], %parallel_loop3A_228 {strides = array<i32>} : memref<80x128xf32, #tpu.memory_space<vmem>>, vector<1x16xf32>,
          %parallel_loop3A_229 = arith.index_cast %parallel_loop3A_95 : i32 to index
          %parallel_loop3A_230 = arith.constant 112 : index
          %parallel_loop3A_231 = tpu.vector_load %arg15[%parallel_loop3A_229, %parallel_loop3A_230] {strides = array<i32>} : memref<80x128xf32, #tpu.memory_space<vmem>>, vector<1x16xf32>,
          %parallel_loop3A_232 = vector.shape_cast %parallel_loop3A_231 : vector<1x16xf32> to vector<16xf32>
          %parallel_loop3A_233 = arith.index_cast %parallel_loop3A_95 : i32 to index
          %parallel_loop3A_234 = arith.constant 112 : index
          %parallel_loop3A_235 = tpu.vector_load %arg16[%parallel_loop3A_233, %parallel_loop3A_234] {strides = array<i32>} : memref<80x128xf32, #tpu.memory_space<vmem>>, vector<1x16xf32>,
          %parallel_loop3A_236 = vector.shape_cast %parallel_loop3A_235 : vector<1x16xf32> to vector<16xf32>
          %parallel_loop3A_237 = arith.addf %parallel_loop3A_232, %parallel_loop3A_236 : vector<16xf32>
          %parallel_loop3A_238 = arith.index_cast %parallel_loop3A_95 : i32 to index
          %parallel_loop3A_239 = arith.constant 112 : index
          %parallel_loop3A_240 = tpu.vector_load %arg17[%parallel_loop3A_238, %parallel_loop3A_239] {strides = array<i32>} : memref<80x128xf32, #tpu.memory_space<vmem>>, vector<1x16xf32>,
          %parallel_loop3A_241 = vector.shape_cast %parallel_loop3A_240 : vector<1x16xf32> to vector<16xf32>
          %parallel_loop3A_242 = arith.addf %parallel_loop3A_237, %parallel_loop3A_241 : vector<16xf32>
          %parallel_loop3A_243 = arith.index_cast %parallel_loop3A_95 : i32 to index
          %parallel_loop3A_244 = arith.constant 112 : index
          %parallel_loop3A_245 = tpu.vector_load %arg21[%parallel_loop3A_243, %parallel_loop3A_244] {strides = array<i32>} : memref<80x128xf32, #tpu.memory_space<vmem>>, vector<1x16xf32>,
          %parallel_loop3A_246 = vector.shape_cast %parallel_loop3A_245 : vector<1x16xf32> to vector<16xf32>
          %parallel_loop3A_247 = vector.shape_cast %parallel_loop3A_242 : vector<16xf32> to vector<1x16xf32>
          tpu.vector_store %arg21[%parallel_loop3A_243, %parallel_loop3A_244], %parallel_loop3A_247 {strides = array<i32>} : memref<80x128xf32, #tpu.memory_space<vmem>>, vector<1x16xf32>,
        } {sc.loop_unroll_factor = 2 : i64, sc.parallel_access}
        %mul3A_82 = arith.constant 80 : i32
        %mul3A_83 = arith.muli %scan3A_47, %mul3A_82 : i32
        %add3A_84 = arith.addi %mul3A_2, %mul3A_83 : i32
        %dma_start3A_85 = arith.constant 0 : i32
        %dma_start3A_86 = tpu.memref_slice %arg8[%add3A_84, %dma_start3A_85] : memref<320000x128xf32, #tpu.memory_space<hbm>> -> memref<80x128xf32, #tpu.memory_space<hbm>>
        %dma_start3A_87 = arith.constant 0 : i32
        %dma_start3A_88 = tpu.memref_slice %arg8[%add3A_84, %dma_start3A_87] : memref<320000x128xf32, #tpu.memory_space<hbm>> -> memref<80x128xf32, #tpu.memory_space<hbm>>
        tpu.enqueue_dma source(%arg21 : memref<80x128xf32, #tpu.memory_space<vmem>>) target(%dma_start3A_88 : memref<80x128xf32, #tpu.memory_space<hbm>>) target_semaphore(%arg25 : memref<!tpu.dma_semaphore, #tpu.memory_space<semaphore_mem>>)
        %add3A_89 = arith.constant 2 : i32
        %add3A_90 = arith.addi %scan3A_47, %add3A_89 : i32
        %lt3A = arith.constant 125 : i32
        %lt3A_91 = arith.cmpi slt, %add3A_90, %lt3A : i32
        %convert_element_type3A_92 = arith.extui %lt3A_91 : i1 to i32
        %cond3A_93 = arith.constant 0 : i32
        %cond3A_94 = arith.cmpi ne, %convert_element_type3A_92, %cond3A_93 : i32
        scf.if %cond3A_94 {
          %add3A_95 = arith.constant 2 : i32
          %add3A_96 = arith.addi %scan3A_47, %add3A_95 : i32
          %mul3A_97 = arith.constant 80 : i32
          %mul3A_98 = arith.muli %add3A_96, %mul3A_97 : i32
          %dma_start3A_99 = tpu.memref_slice %arg12[%mul3A_98] : memref<10000xi32, #tpu.memory_space<vmem>> -> memref<80xi32, #tpu.memory_space<vmem>>
          %dma_start3A_100 = arith.constant 0 : i32
          %dma_start3A_101 = arith.constant 0 : i32
          %dma_start3A_102 = tpu.memref_slice %arg9[%dma_start3A_100, %dma_start3A_101] : memref<100x128xf32, #tpu.memory_space<vmem_shared>> -> memref<100x128xf32, #tpu.memory_space<vmem_shared>>
          tpu.enqueue_indirect_dma source(%dma_start3A_102 : memref<100x128xf32, #tpu.memory_space<vmem_shared>>) target(%arg15 : memref<80x128xf32, #tpu.memory_space<vmem>>) offsets(%dma_start3A_99 : memref<80xi32, #tpu.memory_space<vmem>>) semaphore(%arg23 : memref<!tpu.dma_semaphore, #tpu.memory_space<semaphore_mem>>)
          %dma_start3A_103 = tpu.memref_slice %arg13[%mul3A_98] : memref<10000xi32, #tpu.memory_space<vmem>> -> memref<80xi32, #tpu.memory_space<vmem>>
          %dma_start3A_104 = arith.constant 0 : i32
          %dma_start3A_105 = arith.constant 0 : i32
          %dma_start3A_106 = tpu.memref_slice %arg10[%dma_start3A_104, %dma_start3A_105] : memref<100x128xf32, #tpu.memory_space<vmem_shared>> -> memref<100x128xf32, #tpu.memory_space<vmem_shared>>
          tpu.enqueue_indirect_dma source(%dma_start3A_106 : memref<100x128xf32, #tpu.memory_space<vmem_shared>>) target(%arg16 : memref<80x128xf32, #tpu.memory_space<vmem>>) offsets(%dma_start3A_103 : memref<80xi32, #tpu.memory_space<vmem>>) semaphore(%arg23 : memref<!tpu.dma_semaphore, #tpu.memory_space<semaphore_mem>>)
          %dma_start3A_107 = tpu.memref_slice %arg14[%mul3A_98] : memref<10000xi32, #tpu.memory_space<vmem>> -> memref<80xi32, #tpu.memory_space<vmem>>
          %dma_start3A_108 = arith.constant 0 : i32
          %dma_start3A_109 = arith.constant 0 : i32
          %dma_start3A_110 = tpu.memref_slice %arg11[%dma_start3A_108, %dma_start3A_109] : memref<100x128xf32, #tpu.memory_space<vmem_shared>> -> memref<100x128xf32, #tpu.memory_space<vmem_shared>>
          tpu.enqueue_indirect_dma source(%dma_start3A_110 : memref<100x128xf32, #tpu.memory_space<vmem_shared>>) target(%arg17 : memref<80x128xf32, #tpu.memory_space<vmem>>) offsets(%dma_start3A_107 : memref<80xi32, #tpu.memory_space<vmem>>) semaphore(%arg23 : memref<!tpu.dma_semaphore, #tpu.memory_space<semaphore_mem>>)
        } else {
        }
      } else {
      }
      %eq3A_55 = arith.constant 1 : i32
      %eq3A_56 = arith.cmpi eq, %rem3A_49, %eq3A_55 : i32
      %convert_element_type3A_57 = arith.extui %eq3A_56 : i1 to i32
      %cond3A_58 = arith.constant 0 : i32
      %cond3A_59 = arith.cmpi ne, %convert_element_type3A_57, %cond3A_58 : i32
      scf.if %cond3A_59 {
        %dma_wait3A_61 = arith.constant 0 : i32
        %dma_wait3A_62 = tpu.memref_slice %arg12[%dma_wait3A_61] : memref<10000xi32, #tpu.memory_space<vmem>> -> memref<80xi32, #tpu.memory_space<vmem>>
        %dma_wait3A_63 = arith.constant 0 : i32
        %dma_wait3A_64 = arith.constant 0 : i32
        %dma_wait3A_65 = tpu.memref_slice %arg9[%dma_wait3A_63, %dma_wait3A_64] : memref<100x128xf32, #tpu.memory_space<vmem_shared>> -> memref<100x128xf32, #tpu.memory_space<vmem_shared>>
        tpu.wait_indirect_dma semaphore(%arg24 : memref<!tpu.dma_semaphore, #tpu.memory_space<semaphore_mem>>) src(%dma_wait3A_65 : memref<100x128xf32, #tpu.memory_space<vmem_shared>>) dst(%arg18 : memref<80x128xf32, #tpu.memory_space<vmem>>)
        %dma_wait3A_66 = arith.constant 0 : i32
        %dma_wait3A_67 = tpu.memref_slice %arg13[%dma_wait3A_66] : memref<10000xi32, #tpu.memory_space<vmem>> -> memref<80xi32, #tpu.memory_space<vmem>>
        %dma_wait3A_68 = arith.constant 0 : i32
        %dma_wait3A_69 = arith.constant 0 : i32
        %dma_wait3A_70 = tpu.memref_slice %arg10[%dma_wait3A_68, %dma_wait3A_69] : memref<100x128xf32, #tpu.memory_space<vmem_shared>> -> memref<100x128xf32, #tpu.memory_space<vmem_shared>>
        tpu.wait_indirect_dma semaphore(%arg24 : memref<!tpu.dma_semaphore, #tpu.memory_space<semaphore_mem>>) src(%dma_wait3A_70 : memref<100x128xf32, #tpu.memory_space<vmem_shared>>) dst(%arg19 : memref<80x128xf32, #tpu.memory_space<vmem>>)
        %dma_wait3A_71 = arith.constant 0 : i32
        %dma_wait3A_72 = tpu.memref_slice %arg14[%dma_wait3A_71] : memref<10000xi32, #tpu.memory_space<vmem>> -> memref<80xi32, #tpu.memory_space<vmem>>
        %dma_wait3A_73 = arith.constant 0 : i32
        %dma_wait3A_74 = arith.constant 0 : i32
        %dma_wait3A_75 = tpu.memref_slice %arg11[%dma_wait3A_73, %dma_wait3A_74] : memref<100x128xf32, #tpu.memory_space<vmem_shared>> -> memref<100x128xf32, #tpu.memory_space<vmem_shared>>
        tpu.wait_indirect_dma semaphore(%arg24 : memref<!tpu.dma_semaphore, #tpu.memory_space<semaphore_mem>>) src(%dma_wait3A_75 : memref<100x128xf32, #tpu.memory_space<vmem_shared>>) dst(%arg20 : memref<80x128xf32, #tpu.memory_space<vmem>>)
        %ge3A = arith.constant 2 : i32
        %ge3A_76 = arith.cmpi sge, %scan3A_47, %ge3A : i32
        %convert_element_type3A_77 = arith.extui %ge3A_76 : i1 to i32
        %cond3A_78 = arith.constant 0 : i32
        %cond3A_79 = arith.cmpi ne, %convert_element_type3A_77, %cond3A_78 : i32
        scf.if %cond3A_79 {
          %dma_wait3A_95 = arith.constant 0 : i32
          %dma_wait3A_96 = tpu.memref_slice %arg8[%mul3A_2, %dma_wait3A_95] : memref<320000x128xf32, #tpu.memory_space<hbm>> -> memref<80x128xf32, #tpu.memory_space<hbm>>
          %dma_wait3A_97 = arith.constant 0 : i32
          %dma_wait3A_98 = tpu.memref_slice %arg8[%mul3A_2, %dma_wait3A_97] : memref<320000x128xf32, #tpu.memory_space<hbm>> -> memref<80x128xf32, #tpu.memory_space<hbm>>
          tpu.wait_dma2 semaphore(%arg26 : memref<!tpu.dma_semaphore, #tpu.memory_space<semaphore_mem>>) src(%arg22 : memref<80x128xf32, #tpu.memory_space<vmem>>) dst(%dma_wait3A_98 : memref<80x128xf32, #tpu.memory_space<hbm>>)
        } else {
        }
        %parallel_loop3A = arith.constant 0 : i32
        %parallel_loop3A_80 = arith.constant 80 : i32
        %parallel_loop3A_81 = arith.constant 1 : i32
        scf.for %parallel_loop3A_95 = %parallel_loop3A to %parallel_loop3A_80 step %parallel_loop3A_81  : i32 {
          %parallel_loop3A_96 = arith.index_cast %parallel_loop3A_95 : i32 to index
          %parallel_loop3A_97 = arith.constant 0 : index
          %parallel_loop3A_98 = tpu.vector_load %arg18[%parallel_loop3A_96, %parallel_loop3A_97] {strides = array<i32>} : memref<80x128xf32, #tpu.memory_space<vmem>>, vector<1x16xf32>,
          %parallel_loop3A_99 = vector.shape_cast %parallel_loop3A_98 : vector<1x16xf32> to vector<16xf32>
          %parallel_loop3A_100 = arith.index_cast %parallel_loop3A_95 : i32 to index
          %parallel_loop3A_101 = arith.constant 0 : index
          %parallel_loop3A_102 = tpu.vector_load %arg19[%parallel_loop3A_100, %parallel_loop3A_101] {strides = array<i32>} : memref<80x128xf32, #tpu.memory_space<vmem>>, vector<1x16xf32>,
          %parallel_loop3A_103 = vector.shape_cast %parallel_loop3A_102 : vector<1x16xf32> to vector<16xf32>
          %parallel_loop3A_104 = arith.addf %parallel_loop3A_99, %parallel_loop3A_103 : vector<16xf32>
          %parallel_loop3A_105 = arith.index_cast %parallel_loop3A_95 : i32 to index
          %parallel_loop3A_106 = arith.constant 0 : index
          %parallel_loop3A_107 = tpu.vector_load %arg20[%parallel_loop3A_105, %parallel_loop3A_106] {strides = array<i32>} : memref<80x128xf32, #tpu.memory_space<vmem>>, vector<1x16xf32>,
          %parallel_loop3A_108 = vector.shape_cast %parallel_loop3A_107 : vector<1x16xf32> to vector<16xf32>
          %parallel_loop3A_109 = arith.addf %parallel_loop3A_104, %parallel_loop3A_108 : vector<16xf32>
          %parallel_loop3A_110 = arith.index_cast %parallel_loop3A_95 : i32 to index
          %parallel_loop3A_111 = arith.constant 0 : index
          %parallel_loop3A_112 = tpu.vector_load %arg22[%parallel_loop3A_110, %parallel_loop3A_111] {strides = array<i32>} : memref<80x128xf32, #tpu.memory_space<vmem>>, vector<1x16xf32>,
          %parallel_loop3A_113 = vector.shape_cast %parallel_loop3A_112 : vector<1x16xf32> to vector<16xf32>
          %parallel_loop3A_114 = vector.shape_cast %parallel_loop3A_109 : vector<16xf32> to vector<1x16xf32>
          tpu.vector_store %arg22[%parallel_loop3A_110, %parallel_loop3A_111], %parallel_loop3A_114 {strides = array<i32>} : memref<80x128xf32, #tpu.memory_space<vmem>>, vector<1x16xf32>,
          %parallel_loop3A_115 = arith.index_cast %parallel_loop3A_95 : i32 to index
          %parallel_loop3A_116 = arith.constant 16 : index
          %parallel_loop3A_117 = tpu.vector_load %arg18[%parallel_loop3A_115, %parallel_loop3A_116] {strides = array<i32>} : memref<80x128xf32, #tpu.memory_space<vmem>>, vector<1x16xf32>,
          %parallel_loop3A_118 = vector.shape_cast %parallel_loop3A_117 : vector<1x16xf32> to vector<16xf32>
          %parallel_loop3A_119 = arith.index_cast %parallel_loop3A_95 : i32 to index
          %parallel_loop3A_120 = arith.constant 16 : index
          %parallel_loop3A_121 = tpu.vector_load %arg19[%parallel_loop3A_119, %parallel_loop3A_120] {strides = array<i32>} : memref<80x128xf32, #tpu.memory_space<vmem>>, vector<1x16xf32>,
          %parallel_loop3A_122 = vector.shape_cast %parallel_loop3A_121 : vector<1x16xf32> to vector<16xf32>
          %parallel_loop3A_123 = arith.addf %parallel_loop3A_118, %parallel_loop3A_122 : vector<16xf32>
          %parallel_loop3A_124 = arith.index_cast %parallel_loop3A_95 : i32 to index
          %parallel_loop3A_125 = arith.constant 16 : index
          %parallel_loop3A_126 = tpu.vector_load %arg20[%parallel_loop3A_124, %parallel_loop3A_125] {strides = array<i32>} : memref<80x128xf32, #tpu.memory_space<vmem>>, vector<1x16xf32>,
          %parallel_loop3A_127 = vector.shape_cast %parallel_loop3A_126 : vector<1x16xf32> to vector<16xf32>
          %parallel_loop3A_128 = arith.addf %parallel_loop3A_123, %parallel_loop3A_127 : vector<16xf32>
          %parallel_loop3A_129 = arith.index_cast %parallel_loop3A_95 : i32 to index
          %parallel_loop3A_130 = arith.constant 16 : index
          %parallel_loop3A_131 = tpu.vector_load %arg22[%parallel_loop3A_129, %parallel_loop3A_130] {strides = array<i32>} : memref<80x128xf32, #tpu.memory_space<vmem>>, vector<1x16xf32>,
          %parallel_loop3A_132 = vector.shape_cast %parallel_loop3A_131 : vector<1x16xf32> to vector<16xf32>
          %parallel_loop3A_133 = vector.shape_cast %parallel_loop3A_128 : vector<16xf32> to vector<1x16xf32>
          tpu.vector_store %arg22[%parallel_loop3A_129, %parallel_loop3A_130], %parallel_loop3A_133 {strides = array<i32>} : memref<80x128xf32, #tpu.memory_space<vmem>>, vector<1x16xf32>,
          %parallel_loop3A_134 = arith.index_cast %parallel_loop3A_95 : i32 to index
          %parallel_loop3A_135 = arith.constant 32 : index
          %parallel_loop3A_136 = tpu.vector_load %arg18[%parallel_loop3A_134, %parallel_loop3A_135] {strides = array<i32>} : memref<80x128xf32, #tpu.memory_space<vmem>>, vector<1x16xf32>,
          %parallel_loop3A_137 = vector.shape_cast %parallel_loop3A_136 : vector<1x16xf32> to vector<16xf32>
          %parallel_loop3A_138 = arith.index_cast %parallel_loop3A_95 : i32 to index
          %parallel_loop3A_139 = arith.constant 32 : index
          %parallel_loop3A_140 = tpu.vector_load %arg19[%parallel_loop3A_138, %parallel_loop3A_139] {strides = array<i32>} : memref<80x128xf32, #tpu.memory_space<vmem>>, vector<1x16xf32>,
          %parallel_loop3A_141 = vector.shape_cast %parallel_loop3A_140 : vector<1x16xf32> to vector<16xf32>
          %parallel_loop3A_142 = arith.addf %parallel_loop3A_137, %parallel_loop3A_141 : vector<16xf32>
          %parallel_loop3A_143 = arith.index_cast %parallel_loop3A_95 : i32 to index
          %parallel_loop3A_144 = arith.constant 32 : index
          %parallel_loop3A_145 = tpu.vector_load %arg20[%parallel_loop3A_143, %parallel_loop3A_144] {strides = array<i32>} : memref<80x128xf32, #tpu.memory_space<vmem>>, vector<1x16xf32>,
          %parallel_loop3A_146 = vector.shape_cast %parallel_loop3A_145 : vector<1x16xf32> to vector<16xf32>
          %parallel_loop3A_147 = arith.addf %parallel_loop3A_142, %parallel_loop3A_146 : vector<16xf32>
          %parallel_loop3A_148 = arith.index_cast %parallel_loop3A_95 : i32 to index
          %parallel_loop3A_149 = arith.constant 32 : index
          %parallel_loop3A_150 = tpu.vector_load %arg22[%parallel_loop3A_148, %parallel_loop3A_149] {strides = array<i32>} : memref<80x128xf32, #tpu.memory_space<vmem>>, vector<1x16xf32>,
          %parallel_loop3A_151 = vector.shape_cast %parallel_loop3A_150 : vector<1x16xf32> to vector<16xf32>
          %parallel_loop3A_152 = vector.shape_cast %parallel_loop3A_147 : vector<16xf32> to vector<1x16xf32>
          tpu.vector_store %arg22[%parallel_loop3A_148, %parallel_loop3A_149], %parallel_loop3A_152 {strides = array<i32>} : memref<80x128xf32, #tpu.memory_space<vmem>>, vector<1x16xf32>,
          %parallel_loop3A_153 = arith.index_cast %parallel_loop3A_95 : i32 to index
          %parallel_loop3A_154 = arith.constant 48 : index
          %parallel_loop3A_155 = tpu.vector_load %arg18[%parallel_loop3A_153, %parallel_loop3A_154] {strides = array<i32>} : memref<80x128xf32, #tpu.memory_space<vmem>>, vector<1x16xf32>,
          %parallel_loop3A_156 = vector.shape_cast %parallel_loop3A_155 : vector<1x16xf32> to vector<16xf32>
          %parallel_loop3A_157 = arith.index_cast %parallel_loop3A_95 : i32 to index
          %parallel_loop3A_158 = arith.constant 48 : index
          %parallel_loop3A_159 = tpu.vector_load %arg19[%parallel_loop3A_157, %parallel_loop3A_158] {strides = array<i32>} : memref<80x128xf32, #tpu.memory_space<vmem>>, vector<1x16xf32>,
          %parallel_loop3A_160 = vector.shape_cast %parallel_loop3A_159 : vector<1x16xf32> to vector<16xf32>
          %parallel_loop3A_161 = arith.addf %parallel_loop3A_156, %parallel_loop3A_160 : vector<16xf32>
          %parallel_loop3A_162 = arith.index_cast %parallel_loop3A_95 : i32 to index
          %parallel_loop3A_163 = arith.constant 48 : index
          %parallel_loop3A_164 = tpu.vector_load %arg20[%parallel_loop3A_162, %parallel_loop3A_163] {strides = array<i32>} : memref<80x128xf32, #tpu.memory_space<vmem>>, vector<1x16xf32>,
          %parallel_loop3A_165 = vector.shape_cast %parallel_loop3A_164 : vector<1x16xf32> to vector<16xf32>
          %parallel_loop3A_166 = arith.addf %parallel_loop3A_161, %parallel_loop3A_165 : vector<16xf32>
          %parallel_loop3A_167 = arith.index_cast %parallel_loop3A_95 : i32 to index
          %parallel_loop3A_168 = arith.constant 48 : index
          %parallel_loop3A_169 = tpu.vector_load %arg22[%parallel_loop3A_167, %parallel_loop3A_168] {strides = array<i32>} : memref<80x128xf32, #tpu.memory_space<vmem>>, vector<1x16xf32>,
          %parallel_loop3A_170 = vector.shape_cast %parallel_loop3A_169 : vector<1x16xf32> to vector<16xf32>
          %parallel_loop3A_171 = vector.shape_cast %parallel_loop3A_166 : vector<16xf32> to vector<1x16xf32>
          tpu.vector_store %arg22[%parallel_loop3A_167, %parallel_loop3A_168], %parallel_loop3A_171 {strides = array<i32>} : memref<80x128xf32, #tpu.memory_space<vmem>>, vector<1x16xf32>,
          %parallel_loop3A_172 = arith.index_cast %parallel_loop3A_95 : i32 to index
          %parallel_loop3A_173 = arith.constant 64 : index
          %parallel_loop3A_174 = tpu.vector_load %arg18[%parallel_loop3A_172, %parallel_loop3A_173] {strides = array<i32>} : memref<80x128xf32, #tpu.memory_space<vmem>>, vector<1x16xf32>,
          %parallel_loop3A_175 = vector.shape_cast %parallel_loop3A_174 : vector<1x16xf32> to vector<16xf32>
          %parallel_loop3A_176 = arith.index_cast %parallel_loop3A_95 : i32 to index
          %parallel_loop3A_177 = arith.constant 64 : index
          %parallel_loop3A_178 = tpu.vector_load %arg19[%parallel_loop3A_176, %parallel_loop3A_177] {strides = array<i32>} : memref<80x128xf32, #tpu.memory_space<vmem>>, vector<1x16xf32>,
          %parallel_loop3A_179 = vector.shape_cast %parallel_loop3A_178 : vector<1x16xf32> to vector<16xf32>
          %parallel_loop3A_180 = arith.addf %parallel_loop3A_175, %parallel_loop3A_179 : vector<16xf32>
          %parallel_loop3A_181 = arith.index_cast %parallel_loop3A_95 : i32 to index
          %parallel_loop3A_182 = arith.constant 64 : index
          %parallel_loop3A_183 = tpu.vector_load %arg20[%parallel_loop3A_181, %parallel_loop3A_182] {strides = array<i32>} : memref<80x128xf32, #tpu.memory_space<vmem>>, vector<1x16xf32>,
          %parallel_loop3A_184 = vector.shape_cast %parallel_loop3A_183 : vector<1x16xf32> to vector<16xf32>
          %parallel_loop3A_185 = arith.addf %parallel_loop3A_180, %parallel_loop3A_184 : vector<16xf32>
          %parallel_loop3A_186 = arith.index_cast %parallel_loop3A_95 : i32 to index
          %parallel_loop3A_187 = arith.constant 64 : index
          %parallel_loop3A_188 = tpu.vector_load %arg22[%parallel_loop3A_186, %parallel_loop3A_187] {strides = array<i32>} : memref<80x128xf32, #tpu.memory_space<vmem>>, vector<1x16xf32>,
          %parallel_loop3A_189 = vector.shape_cast %parallel_loop3A_188 : vector<1x16xf32> to vector<16xf32>
          %parallel_loop3A_190 = vector.shape_cast %parallel_loop3A_185 : vector<16xf32> to vector<1x16xf32>
          tpu.vector_store %arg22[%parallel_loop3A_186, %parallel_loop3A_187], %parallel_loop3A_190 {strides = array<i32>} : memref<80x128xf32, #tpu.memory_space<vmem>>, vector<1x16xf32>,
          %parallel_loop3A_191 = arith.index_cast %parallel_loop3A_95 : i32 to index
          %parallel_loop3A_192 = arith.constant 80 : index
          %parallel_loop3A_193 = tpu.vector_load %arg18[%parallel_loop3A_191, %parallel_loop3A_192] {strides = array<i32>} : memref<80x128xf32, #tpu.memory_space<vmem>>, vector<1x16xf32>,
          %parallel_loop3A_194 = vector.shape_cast %parallel_loop3A_193 : vector<1x16xf32> to vector<16xf32>
          %parallel_loop3A_195 = arith.index_cast %parallel_loop3A_95 : i32 to index
          %parallel_loop3A_196 = arith.constant 80 : index
          %parallel_loop3A_197 = tpu.vector_load %arg19[%parallel_loop3A_195, %parallel_loop3A_196] {strides = array<i32>} : memref<80x128xf32, #tpu.memory_space<vmem>>, vector<1x16xf32>,
          %parallel_loop3A_198 = vector.shape_cast %parallel_loop3A_197 : vector<1x16xf32> to vector<16xf32>
          %parallel_loop3A_199 = arith.addf %parallel_loop3A_194, %parallel_loop3A_198 : vector<16xf32>
          %parallel_loop3A_200 = arith.index_cast %parallel_loop3A_95 : i32 to index
          %parallel_loop3A_201 = arith.constant 80 : index
          %parallel_loop3A_202 = tpu.vector_load %arg20[%parallel_loop3A_200, %parallel_loop3A_201] {strides = array<i32>} : memref<80x128xf32, #tpu.memory_space<vmem>>, vector<1x16xf32>,
          %parallel_loop3A_203 = vector.shape_cast %parallel_loop3A_202 : vector<1x16xf32> to vector<16xf32>
          %parallel_loop3A_204 = arith.addf %parallel_loop3A_199, %parallel_loop3A_203 : vector<16xf32>
          %parallel_loop3A_205 = arith.index_cast %parallel_loop3A_95 : i32 to index
          %parallel_loop3A_206 = arith.constant 80 : index
          %parallel_loop3A_207 = tpu.vector_load %arg22[%parallel_loop3A_205, %parallel_loop3A_206] {strides = array<i32>} : memref<80x128xf32, #tpu.memory_space<vmem>>, vector<1x16xf32>,
          %parallel_loop3A_208 = vector.shape_cast %parallel_loop3A_207 : vector<1x16xf32> to vector<16xf32>
          %parallel_loop3A_209 = vector.shape_cast %parallel_loop3A_204 : vector<16xf32> to vector<1x16xf32>
          tpu.vector_store %arg22[%parallel_loop3A_205, %parallel_loop3A_206], %parallel_loop3A_209 {strides = array<i32>} : memref<80x128xf32, #tpu.memory_space<vmem>>, vector<1x16xf32>,
          %parallel_loop3A_210 = arith.index_cast %parallel_loop3A_95 : i32 to index
          %parallel_loop3A_211 = arith.constant 96 : index
          %parallel_loop3A_212 = tpu.vector_load %arg18[%parallel_loop3A_210, %parallel_loop3A_211] {strides = array<i32>} : memref<80x128xf32, #tpu.memory_space<vmem>>, vector<1x16xf32>,
          %parallel_loop3A_213 = vector.shape_cast %parallel_loop3A_212 : vector<1x16xf32> to vector<16xf32>
          %parallel_loop3A_214 = arith.index_cast %parallel_loop3A_95 : i32 to index
          %parallel_loop3A_215 = arith.constant 96 : index
          %parallel_loop3A_216 = tpu.vector_load %arg19[%parallel_loop3A_214, %parallel_loop3A_215] {strides = array<i32>} : memref<80x128xf32, #tpu.memory_space<vmem>>, vector<1x16xf32>,
          %parallel_loop3A_217 = vector.shape_cast %parallel_loop3A_216 : vector<1x16xf32> to vector<16xf32>
          %parallel_loop3A_218 = arith.addf %parallel_loop3A_213, %parallel_loop3A_217 : vector<16xf32>
          %parallel_loop3A_219 = arith.index_cast %parallel_loop3A_95 : i32 to index
          %parallel_loop3A_220 = arith.constant 96 : index
          %parallel_loop3A_221 = tpu.vector_load %arg20[%parallel_loop3A_219, %parallel_loop3A_220] {strides = array<i32>} : memref<80x128xf32, #tpu.memory_space<vmem>>, vector<1x16xf32>,
          %parallel_loop3A_222 = vector.shape_cast %parallel_loop3A_221 : vector<1x16xf32> to vector<16xf32>
          %parallel_loop3A_223 = arith.addf %parallel_loop3A_218, %parallel_loop3A_222 : vector<16xf32>
          %parallel_loop3A_224 = arith.index_cast %parallel_loop3A_95 : i32 to index
          %parallel_loop3A_225 = arith.constant 96 : index
          %parallel_loop3A_226 = tpu.vector_load %arg22[%parallel_loop3A_224, %parallel_loop3A_225] {strides = array<i32>} : memref<80x128xf32, #tpu.memory_space<vmem>>, vector<1x16xf32>,
          %parallel_loop3A_227 = vector.shape_cast %parallel_loop3A_226 : vector<1x16xf32> to vector<16xf32>
          %parallel_loop3A_228 = vector.shape_cast %parallel_loop3A_223 : vector<16xf32> to vector<1x16xf32>
          tpu.vector_store %arg22[%parallel_loop3A_224, %parallel_loop3A_225], %parallel_loop3A_228 {strides = array<i32>} : memref<80x128xf32, #tpu.memory_space<vmem>>, vector<1x16xf32>,
          %parallel_loop3A_229 = arith.index_cast %parallel_loop3A_95 : i32 to index
          %parallel_loop3A_230 = arith.constant 112 : index
          %parallel_loop3A_231 = tpu.vector_load %arg18[%parallel_loop3A_229, %parallel_loop3A_230] {strides = array<i32>} : memref<80x128xf32, #tpu.memory_space<vmem>>, vector<1x16xf32>,
          %parallel_loop3A_232 = vector.shape_cast %parallel_loop3A_231 : vector<1x16xf32> to vector<16xf32>
          %parallel_loop3A_233 = arith.index_cast %parallel_loop3A_95 : i32 to index
          %parallel_loop3A_234 = arith.constant 112 : index
          %parallel_loop3A_235 = tpu.vector_load %arg19[%parallel_loop3A_233, %parallel_loop3A_234] {strides = array<i32>} : memref<80x128xf32, #tpu.memory_space<vmem>>, vector<1x16xf32>,
          %parallel_loop3A_236 = vector.shape_cast %parallel_loop3A_235 : vector<1x16xf32> to vector<16xf32>
          %parallel_loop3A_237 = arith.addf %parallel_loop3A_232, %parallel_loop3A_236 : vector<16xf32>
          %parallel_loop3A_238 = arith.index_cast %parallel_loop3A_95 : i32 to index
          %parallel_loop3A_239 = arith.constant 112 : index
          %parallel_loop3A_240 = tpu.vector_load %arg20[%parallel_loop3A_238, %parallel_loop3A_239] {strides = array<i32>} : memref<80x128xf32, #tpu.memory_space<vmem>>, vector<1x16xf32>,
          %parallel_loop3A_241 = vector.shape_cast %parallel_loop3A_240 : vector<1x16xf32> to vector<16xf32>
          %parallel_loop3A_242 = arith.addf %parallel_loop3A_237, %parallel_loop3A_241 : vector<16xf32>
          %parallel_loop3A_243 = arith.index_cast %parallel_loop3A_95 : i32 to index
          %parallel_loop3A_244 = arith.constant 112 : index
          %parallel_loop3A_245 = tpu.vector_load %arg22[%parallel_loop3A_243, %parallel_loop3A_244] {strides = array<i32>} : memref<80x128xf32, #tpu.memory_space<vmem>>, vector<1x16xf32>,
          %parallel_loop3A_246 = vector.shape_cast %parallel_loop3A_245 : vector<1x16xf32> to vector<16xf32>
          %parallel_loop3A_247 = vector.shape_cast %parallel_loop3A_242 : vector<16xf32> to vector<1x16xf32>
          tpu.vector_store %arg22[%parallel_loop3A_243, %parallel_loop3A_244], %parallel_loop3A_247 {strides = array<i32>} : memref<80x128xf32, #tpu.memory_space<vmem>>, vector<1x16xf32>,
        } {sc.loop_unroll_factor = 2 : i64, sc.parallel_access}
        %mul3A_82 = arith.constant 80 : i32
        %mul3A_83 = arith.muli %scan3A_47, %mul3A_82 : i32
        %add3A_84 = arith.addi %mul3A_2, %mul3A_83 : i32
        %dma_start3A_85 = arith.constant 0 : i32
        %dma_start3A_86 = tpu.memref_slice %arg8[%add3A_84, %dma_start3A_85] : memref<320000x128xf32, #tpu.memory_space<hbm>> -> memref<80x128xf32, #tpu.memory_space<hbm>>
        %dma_start3A_87 = arith.constant 0 : i32
        %dma_start3A_88 = tpu.memref_slice %arg8[%add3A_84, %dma_start3A_87] : memref<320000x128xf32, #tpu.memory_space<hbm>> -> memref<80x128xf32, #tpu.memory_space<hbm>>
        tpu.enqueue_dma source(%arg22 : memref<80x128xf32, #tpu.memory_space<vmem>>) target(%dma_start3A_88 : memref<80x128xf32, #tpu.memory_space<hbm>>) target_semaphore(%arg26 : memref<!tpu.dma_semaphore, #tpu.memory_space<semaphore_mem>>)
        %add3A_89 = arith.constant 2 : i32
        %add3A_90 = arith.addi %scan3A_47, %add3A_89 : i32
        %lt3A = arith.constant 125 : i32
        %lt3A_91 = arith.cmpi slt, %add3A_90, %lt3A : i32
        %convert_element_type3A_92 = arith.extui %lt3A_91 : i1 to i32
        %cond3A_93 = arith.constant 0 : i32
        %cond3A_94 = arith.cmpi ne, %convert_element_type3A_92, %cond3A_93 : i32
        scf.if %cond3A_94 {
          %add3A_95 = arith.constant 2 : i32
          %add3A_96 = arith.addi %scan3A_47, %add3A_95 : i32
          %mul3A_97 = arith.constant 80 : i32
          %mul3A_98 = arith.muli %add3A_96, %mul3A_97 : i32
          %dma_start3A_99 = tpu.memref_slice %arg12[%mul3A_98] : memref<10000xi32, #tpu.memory_space<vmem>> -> memref<80xi32, #tpu.memory_space<vmem>>
          %dma_start3A_100 = arith.constant 0 : i32
          %dma_start3A_101 = arith.constant 0 : i32
          %dma_start3A_102 = tpu.memref_slice %arg9[%dma_start3A_100, %dma_start3A_101] : memref<100x128xf32, #tpu.memory_space<vmem_shared>> -> memref<100x128xf32, #tpu.memory_space<vmem_shared>>
          tpu.enqueue_indirect_dma source(%dma_start3A_102 : memref<100x128xf32, #tpu.memory_space<vmem_shared>>) target(%arg18 : memref<80x128xf32, #tpu.memory_space<vmem>>) offsets(%dma_start3A_99 : memref<80xi32, #tpu.memory_space<vmem>>) semaphore(%arg24 : memref<!tpu.dma_semaphore, #tpu.memory_space<semaphore_mem>>)
          %dma_start3A_103 = tpu.memref_slice %arg13[%mul3A_98] : memref<10000xi32, #tpu.memory_space<vmem>> -> memref<80xi32, #tpu.memory_space<vmem>>
          %dma_start3A_104 = arith.constant 0 : i32
          %dma_start3A_105 = arith.constant 0 : i32
          %dma_start3A_106 = tpu.memref_slice %arg10[%dma_start3A_104, %dma_start3A_105] : memref<100x128xf32, #tpu.memory_space<vmem_shared>> -> memref<100x128xf32, #tpu.memory_space<vmem_shared>>
          tpu.enqueue_indirect_dma source(%dma_start3A_106 : memref<100x128xf32, #tpu.memory_space<vmem_shared>>) target(%arg19 : memref<80x128xf32, #tpu.memory_space<vmem>>) offsets(%dma_start3A_103 : memref<80xi32, #tpu.memory_space<vmem>>) semaphore(%arg24 : memref<!tpu.dma_semaphore, #tpu.memory_space<semaphore_mem>>)
          %dma_start3A_107 = tpu.memref_slice %arg14[%mul3A_98] : memref<10000xi32, #tpu.memory_space<vmem>> -> memref<80xi32, #tpu.memory_space<vmem>>
          %dma_start3A_108 = arith.constant 0 : i32
          %dma_start3A_109 = arith.constant 0 : i32
          %dma_start3A_110 = tpu.memref_slice %arg11[%dma_start3A_108, %dma_start3A_109] : memref<100x128xf32, #tpu.memory_space<vmem_shared>> -> memref<100x128xf32, #tpu.memory_space<vmem_shared>>
          tpu.enqueue_indirect_dma source(%dma_start3A_110 : memref<100x128xf32, #tpu.memory_space<vmem_shared>>) target(%arg20 : memref<80x128xf32, #tpu.memory_space<vmem>>) offsets(%dma_start3A_107 : memref<80xi32, #tpu.memory_space<vmem>>) semaphore(%arg24 : memref<!tpu.dma_semaphore, #tpu.memory_space<semaphore_mem>>)
        } else {
        }
      } else {
      }
      %scan3A_60 = arith.constant 0 : i32
      scf.yield %scan3A_60 : i32
    }
    %scan3A_39 = arith.constant 125 : i32
    %dma_wait3A = arith.constant 0 : i32
    %dma_wait3A_40 = tpu.memref_slice %arg8[%mul3A_2, %dma_wait3A] : memref<320000x128xf32, #tpu.memory_space<hbm>> -> memref<80x128xf32, #tpu.memory_space<hbm>>
    %dma_wait3A_41 = arith.constant 0 : i32
    %dma_wait3A_42 = tpu.memref_slice %arg8[%mul3A_2, %dma_wait3A_41] : memref<320000x128xf32, #tpu.memory_space<hbm>> -> memref<80x128xf32, #tpu.memory_space<hbm>>
    tpu.wait_dma2 semaphore(%arg25 : memref<!tpu.dma_semaphore, #tpu.memory_space<semaphore_mem>>) src(%arg21 : memref<80x128xf32, #tpu.memory_space<vmem>>) dst(%dma_wait3A_42 : memref<80x128xf32, #tpu.memory_space<hbm>>)
    %dma_wait3A_43 = arith.constant 0 : i32
    %dma_wait3A_44 = tpu.memref_slice %arg8[%mul3A_2, %dma_wait3A_43] : memref<320000x128xf32, #tpu.memory_space<hbm>> -> memref<80x128xf32, #tpu.memory_space<hbm>>
    %dma_wait3A_45 = arith.constant 0 : i32
    %dma_wait3A_46 = tpu.memref_slice %arg8[%mul3A_2, %dma_wait3A_45] : memref<320000x128xf32, #tpu.memory_space<hbm>> -> memref<80x128xf32, #tpu.memory_space<hbm>>
    tpu.wait_dma2 semaphore(%arg26 : memref<!tpu.dma_semaphore, #tpu.memory_space<semaphore_mem>>) src(%arg22 : memref<80x128xf32, #tpu.memory_space<vmem>>) dst(%dma_wait3A_46 : memref<80x128xf32, #tpu.memory_space<hbm>>)
    return
  }
}

</mosaic_0001>

<sc_bundles>
// kernel: kernel.3.cloned.1.call-start
scs
__scs_entry_jumppad:
0x0: {  	(pc) =	sbr.rel $0x88, $3  }
0x1: {  	(tag) =	ssettag $0x0;
	lr =	simm.s32 $0x1  }
0x2: {  	[smem:$0x3F9D] =	sst lr;
	_ =	strace $0xD0000000  }
0x3: {  	_ = 	snop  }
0x4: {  	_ = 	snop  }
0x5: {  	_ = 	snop  }
0x6: {  	_ = 	snop  }
0x7: {  	_ = 	snop  }
__scs_overlays_trampoline_lowered:
0x8: {  	[smem:$0x3FAC] =	sst s0  }
0x9: {  	[smem:$0x3FAD] =	sst s1  }
0xa: {  	[smem:$0x3FAE] =	sst s2  }
0xb: {  	[smem:$0x3FAF] =	sst s3  }
0xc: {  	[smem:$0x3FB0] =	sst s4  }
0xd: {  	[smem:$0x3FB1] =	sst s5  }
0xe: {  	[smem:$0x3FB2] =	sst s6  }
0xf: {  	[smem:$0x3FB3] =	sst s7  }
0x10: {  	[smem:$0x3FB4] =	sst s8  }
0x11: {  	[smem:$0x3FB5] =	sst s9;
	s0 =	simm.s32 @!p0 $0x0  }
0x12: {  	s1 =	sld [smem:$0x3F9B];
	s0 =	simm.s32 @p0 $0x1  }
0x13: {  	[smem:$0x3FB6] =	sst s0;
	s0 =	simm.s32 @!p1 $0x0  }
0x14: {  	s2 =	sld [smem:$0x3F9A];
	s0 =	simm.s32 @p1 $0x1  }
0x15: {  	[smem:$0x3FB7] =	sst s0;
	s0 =	simm.s32 @!p2 $0x0  }
0x16: {  	s3 =	sld [smem:$0x3FDB];
	s0 =	simm.s32 @p2 $0x1  }
0x17: {  	s4 =	simm.s32 $0x1BF5;
	[smem:$0x3FB9] =	sst s0  }
0x18: {  	s0 =	sld [smem:$0x3F9C];
	_ =	swait.ge [sflag:s4], $0x0  }
0x19: {  	s7 =	sld [smem:$0x3F9D]  }
0x1a: {  	s8 =	sadd.s32 $0xFFFFE003, lr  }
0x1b: {  	s9 =	sadd.s32 $0xFFFFFEF7, lr;
	s5 =	simm.s32 $0xFFFFFFFF;
	p2 =	slt.u32 s8, $0xFFFFF086  }
0x1c: {  	p1 =	slt.u32 s9, $0xF7A;
	s5 =	simm.s32 @!p2 $0x0  }
0x1d: {  	s5 =	simm.s32 @p1 $0x1;
	p0 =	seq.s32 s7, s2  }
0x1e: {  	s7 =	smul.u32 @!p0 $0xF7A, s2;
	p2 =	seq.s32 @!p0 s5, $0x0  }
0x1f: {  	s9 =	smul.u32 $0xF7A, s1;
	s8 =	simm.s32 @!p0 $0x1BF5;
	p2 =	por !p2, p0  }
0x20: {  	[sflag:s8] =	ssyncset.s32 @!p0 $0xFFFFF086;
	s6 =	sadd.s32 @!p0 s3, s7;
	s7 =	simm.s32 @!p0 $0x108  }
0x21: {  	s3 =	sadd.s32 s3, s9;
	s6 =	sadd.s32 @!p0 $0x88, s6;
	s7 =	simm.s32 @p2 $0x1082  }
0x22: {  	[simem:s7], [sflag:s8] =	dma.local @!p0 [hbm:s6], $0xF7A  }
0x23: {  	s9 =	sor.u32 $0xD0000000, s2;
	s6 =	simm.s32 $0x108;
	_ =	swait.ge @!p0 [sflag:s8], $0x0  }
0x24: {  	s3 =	sadd.s32 $0x88, s3;
	s6 =	simm.s32 @!p1 $0x1082;
	[sflag:s4] =	ssyncset.s32 $0xFFFFF086  }
0x25: {  	[simem:s6], [sflag:s4] =	dma.local [hbm:s3], $0xF7A  }
0x26: {  	[smem:$0x3F9D] =	sst s1;
	(tag) =	ssettag s2;
	_ =	strace s9  }
0x27: {  	s1 =	sld [smem:$0x3FAD]  }
0x28: {  	s2 =	sld [smem:$0x3FAE]  }
0x29: {  	s4 =	sld [smem:$0x3FB0]  }
0x2a: {  	p0 =	seq.s32 s5, $0x0;
	s5 =	sld [smem:$0x3FB1]  }
0x2b: {  	s6 =	sld [smem:$0x3FB2]  }
0x2c: {  	s7 =	sld [smem:$0x3FB3]  }
0x2d: {  	s3 =	simm.s32 $0x108;
	s8 =	sld [smem:$0x3FB4]  }
0x2e: {  	s3 =	simm.s32 @!p0 $0x1082;
	s9 =	sld [smem:$0x3FB5]  }
0x2f: {  	lr =	sadd.s32 s0, s3;
	s0 =	sld [smem:$0x3FAC]  }
0x30: {  	s3 =	sld [smem:$0x3FAF]  }
0x31: {  	[smem:$0x3FB8] =	sst s10  }
0x32: {  	s10 =	sld [smem:$0x3FB6];
	_ =	sdelay $0x3  }
0x33: {  	p0 =	seq.s32 s10, $0x1;
	s10 =	sld [smem:$0x3FB8];
	_ =	sdelay $0x3  }
0x34: {  	[smem:$0x3FB8] =	sst s10  }
0x35: {  	s10 =	sld [smem:$0x3FB7];
	_ =	sdelay $0x3  }
0x36: {  	p1 =	seq.s32 s10, $0x1;
	s10 =	sld [smem:$0x3FB8];
	_ =	sdelay $0x3  }
0x37: {  	[smem:$0x3FB8] =	sst s10  }
0x38: {  	s10 =	sld [smem:$0x3FB9]  }
0x39: {  	_ = 	snop;
	(pc) =	sbr.ind lr, $3  }
0x3a: {  	_ = 	snop  }
0x3b: {  	_ = 	snop  }
0x3c: {  	p2 =	seq.s32 s10, $0x1;
	s10 =	sld [smem:$0x3FB8]  }
0x3d: {  	_ =	shalt  }
0x3e: {  	_ =	shalt  }
0x3f: {  	_ =	shalt  }
0x40: {  	_ =	shalt  }
0x41: {  	_ =	shalt  }
0x42: {  	_ =	shalt  }
0x43: {  	_ =	shalt  }
0x44: {  	_ =	shalt  }
0x45: {  	_ =	shalt  }
0x46: {  	_ =	shalt  }
0x47: {  	_ =	shalt  }
0x48: {  	_ =	shalt  }
0x49: {  	_ =	shalt  }
0x4a: {  	_ =	shalt  }
0x4b: {  	_ =	shalt  }
0x4c: {  	_ =	shalt  }
0x4d: {  	_ =	shalt  }
0x4e: {  	_ =	shalt  }
0x4f: {  	_ =	shalt  }
0x50: {  	_ =	shalt  }
0x51: {  	_ =	shalt  }
0x52: {  	_ =	shalt  }
0x53: {  	_ =	shalt  }
0x54: {  	_ =	shalt  }
0x55: {  	_ =	shalt  }
0x56: {  	_ =	shalt  }
0x57: {  	_ =	shalt  }
0x58: {  	_ =	shalt  }
0x59: {  	_ =	shalt  }
0x5a: {  	_ =	shalt  }
0x5b: {  	_ =	shalt  }
0x5c: {  	_ =	shalt  }
0x5d: {  	_ =	shalt  }
0x5e: {  	_ =	shalt  }
0x5f: {  	_ =	shalt  }
0x60: {  	_ =	shalt  }
0x61: {  	_ =	shalt  }
0x62: {  	_ =	shalt  }
0x63: {  	_ =	shalt  }
0x64: {  	_ =	shalt  }
0x65: {  	_ =	shalt  }
0x66: {  	_ =	shalt  }
0x67: {  	_ =	shalt  }
0x68: {  	_ =	shalt  }
0x69: {  	_ =	shalt  }
0x6a: {  	_ =	shalt  }
0x6b: {  	_ =	shalt  }
0x6c: {  	_ =	shalt  }
0x6d: {  	_ =	shalt  }
0x6e: {  	_ =	shalt  }
0x6f: {  	_ =	shalt  }
0x70: {  	_ =	shalt  }
0x71: {  	_ =	shalt  }
0x72: {  	_ =	shalt  }
0x73: {  	_ =	shalt  }
0x74: {  	_ =	shalt  }
0x75: {  	_ =	shalt  }
0x76: {  	_ =	shalt  }
0x77: {  	_ =	shalt  }
0x78: {  	_ =	shalt  }
0x79: {  	_ =	shalt  }
0x7a: {  	_ =	shalt  }
0x7b: {  	_ =	shalt  }
0x7c: {  	_ =	shalt  }
0x7d: {  	_ =	shalt  }
0x7e: {  	_ =	shalt  }
0x7f: {  	_ =	shalt  }
0x80: {  	_ =	shalt  }
0x81: {  	_ =	shalt  }
0x82: {  	_ =	shalt  }
0x83: {  	_ =	shalt  }
0x84: {  	_ =	shalt  }
0x85: {  	_ =	shalt  }
0x86: {  	_ =	shalt  }
0x87: {  	_ =	shalt  }
.Lfunc_end0:
.L_simem_size_0:
called_computation_lowered:
.L_overlay_start_0:
0x88: {  	s2 =	sld [smem:$0x3FD9]  }
0x89: {  	s3 =	sld [smem:$0x3FFE];
	_ =	sdelay $0x1  }
0x8a: {  	s1 =	srdreg.scid  }
0x8b: {  	s0 =	sand.u32 $0x1, s1  }
0x8c: {  	s17 =	sshll.u32 s0, $0xA;
	s2 =	sadd.s32 s3, s2  }
0x8d: {  	s2 =	sadd.s32 s2, s17  }
0x8e: {  	[smem:$0x3FC4] =	sst s2  }
0x8f: {  	_ = 	snop  }
0x90: {  	s2 =	sld [smem:$0x3FC8]  }
0x91: {  	s18 =	sld [smem:$0x3FC7]  }
0x92: {  	s4 =	sld [smem:$0x3FC6]  }
0x93: {  	s5 =	sld [smem:$0x3FD0];
	(tm) =	ssettm $0x1  }
0x94: {  	s6 =	sld [smem:$0x3FFB];
	_ =	sdelay $0x3  }
0x95: {  	_ =	strace s6  }
0x96: {  	s6 =	sld [smem:$0x3FFC];
	_ =	sdelay $0x3  }
0x97: {  	_ =	strace s6  }
0x98: {  	s6 =	sld [smem:$0x3FFD];
	_ =	sdelay $0x3  }
0x99: {  	_ =	strace s6  }
0x9a: {  	_ =	strace $0x8FFFFFFF  }
0x9b: {  	s19 =	sld [smem:$0x3FDB];
	_ =	sdelay $0x1  }
0x9c: {  	s7 =	simm.s32 $_scs_section_size  }
0x9d: {  	s8 =	simm.s32 $_size__tile_overlayer_lowered;
	s9 =	simm.s32 $_tile_overlayer_lowered  }
0x9e: {  	s22 =	simm.s32 $0x1BFF;
	s21 =	sshll.u32 s9, $0x1;
	s6 =	sadd.s32 s7, s19  }
0x9f: {  	s10 =	simm.s32 $0x0;
	s20 =	sshll.u32 s8, $0x1;
	s8 =	sadd.s32 s21, s6  }
0xa0: {  	[timem:s10], [sflag:s22] =	dma.local [hbm:s8], s20  }
0xa1: {  	_ =	swait.ge [sflag:s22], s20  }
0xa2: {  	s7 =	ssub.s32 $0x0, s20;
	[sflag:s22] =	ssyncset.done $0x0  }
0xa3: {  	[sflag:s22] =	ssyncadd.s32 s7;
	_ =	sdelay $0x1  }
0xa4: {  	s23 =	simm.s32 $0x1B8B  }
0xa5: {  	_ =	swait.ge [sflag:s23], $0x1  }
0xa6: {  	[sflag:s23] =	ssyncset.done $0x0  }
0xa7: {  	s25 =	simm.s32 $0x1B8E;
	s24 =	sld [smem:$0x3FFE];
	[sflag:s23] =	ssyncadd.s32 $0xFFFFFFFF  }
0xa8: {  	s26 =	simm.s32 $execute0_lowered;
	[smem:$0x3FD2] =	sst s25  }
0xa9: {  	s8 =	sshll.u32 s26, $0x1;
	_ =	strace $0x80000046;
	[dreg:$0x1] =	wrdreg $0xFFFFFFFF  }
0xaa: {  	s28 =	simm.s32 $_size_execute0_lowered;
	s6 =	sadd.s32 s6, s8;
	[dreg:$0x0] =	wrdreg $0x0  }
0xab: {  	s8 =	sshll.u32 s28, $0x1;
	[dreg:$0x2] =	wrdreg s6  }
0xac: {  	[dreg:$0x3] =	wrdreg s8  }
0xad: {  	[dreg:$0x4] =	wrdreg $0xC0  }
0xae: {  	_ =	task [dreg:s10], $0x5FFFF  }
0xaf: {  	[dreg:$0x1] =	wrdreg $0xFFFFFFFF  }
0xb0: {  	[dreg:$0x0] =	wrdreg $0x60  }
0xb1: {  	[dreg:$0x2] =	wrdreg s24  }
0xb2: {  	[dreg:$0x3] =	wrdreg s2  }
0xb3: {  	[dreg:$0x4] =	wrdreg s18  }
0xb4: {  	[dreg:$0x5] =	wrdreg s4  }
0xb5: {  	[dreg:$0x6] =	wrdreg s5  }
0xb6: {  	[dreg:$0x7] =	wrdreg $0x0  }
0xb7: {  	[dreg:$0x8] =	wrdreg $0x3200  }
0xb8: {  	[dreg:$0x9] =	wrdreg $0x6400  }
0xb9: {  	[dreg:$0xa] =	wrdreg $0x9  }
0xba: {  	_ =	task.clear_ibuf [dreg:s10], $0xBFFFF;
	_ =	strace $0x90000046  }
0xbb: {  	s29 =	simm.s32 $0x9;
	_ =	strace $0x80000048  }
0xbc: {  	_ =	swait.ge [sflag:s29], $0x1  }
0xbd: {  	[sflag:s29] =	ssyncadd.s32 $0xFFFFFFFF  }
0xbe: {  	_ =	strace $0x90000048  }
0xbf: {  	_ =	sfence  }
0xc0: {  	s30 =	sld [smem:$0x0];
	_ =	sdelay $0x2  }
0xc1: {  	s31 =	sshll.u32 s1, $0xD;
	s1 =	sshrl.u32 s1, $0x2  }
0xc2: {  	s3 =	sand.u32 $0x4000, s31;
	s1 =	sadd.s32 s1, s30  }
0xc3: {  	s0 =	sor.u32 s3, s0;
	s1 =	sshll.u32 s1, $0x11  }
0xc4: {  	s0 =	sor.u32 s1, s0  }
0xc5: {  	s0 =	sadd.s32 $0x8F2B, s0  }
0xc6: {  	[sflag:s0] =	ssyncadd.remote.s32 $0x1  }
0xc7: {  	_ =	sfence.sel $0xFFFF  }
0xc8: {  	[dreg:$0x0] =	wrdreg $0xFFFFFFFF;
	(pc) =	sbr.abs _section_cstart, $3  }
0xc9: {  	[dreg:$0x1] =	wrdreg $0xFFFFFFFF  }
0xca: {  	_ =	task.clear_ibuf [dreg:s10], $0x2FFFF;
	_ =	strace $0x9FFFFFFF  }
0xcb: {  	(tm) =	ssettm $0x7FFFFFFF  }
tec
execute0_lowered:
.L_overlay_start_1:
0x0: {  	(tag) =	ssettag $0x1  }
0x1: {  	s0 =	rddreg [dreg:$0x0]  }
0x2: {  	s3 =	rddreg [dreg:$0x4]  }
0x3: {  	s4 =	rddreg [dreg:$0x5]  }
0x4: {  	s1 =	srdreg.scid;
	s6 =	rddreg [dreg:$0x6]  }
0x5: {  	s2 =	stileid.u32;
	s7 =	rddreg [dreg:$0x7];
	s9 =	simm.s32 $0x0  }
0x6: {  	s18 =	simm.s32 $0x5;
	s1 =	sand.u32 $0x1, s1;
	s5 =	sshll.u32 s2, $0x1  }
0x7: {  	s21 =	simm.s32 $0x50;
	s22 =	simm.s32 $0x1;
	s5 =	sor.u32 s1, s5  }
0x8: {  	s23 =	simm.s32 $0x16FE0;
	s1 =	ssub.s32 $0x2, s1;
	s8 =	smul.u32 $0x2710, s5  }
0x9: {  	s24 =	simm.s32 $0x0;
	[smem:$0x7FF] =	sst s9;
	s11 =	sshrl.u32 s1, $0x1  }
0xa: {  	p0 =	sne.s32 s2, $0x0;
	s29 =	ssub.s32 s1, s11;
	s5 =	sshrl.u32 s8, $0x3  }
0xb: {  	_ =	strace $0x80000047;
	s10 =	sadd.s32 s0, s5;
	s0 =	smax.u32 s29, $0x1  }
.Ltmp0:
0xc: {  	s30 =	sadd.s32 $0x13C00, s10;
	[dreg:$0xb] =	wrdreg s0;
	(pc) =	sbr.rel .LBB2_1-.Ltmp0, $4  }
0xd: {  	s2 =	simm.s32 $0x4;
	s31 =	sadd.s32 $0x9E00, s10;
	[dreg:$0x9] =	wrdreg s30  }
0xe: {  	s16 =	sshrl.u32 @!p0 s7, $0x3;
	s0 =	sshrl.u32 @!p0 s4, $0x3;
	[dreg:$0xa] =	wrdreg s31  }
0xf: {  	s1 =	simm.s32 $0x3;
	[dreg:$0xc] =	wrdreg s0;
	s0 =	sshrl.u32 @!p0 s6, $0x3  }
0x10: {  	s5 =	simm.s32 $0x2;
	[dreg:$0xd] =	wrdreg s0;
	s0 =	simm.s32 $0x197E0  }
.LBB2_10:
0x11: {  	_ =	swait.ge [sflag:s1], $0x2800  }
0x12: {  	[sflag:s1] =	ssyncset.done $0x0  }
0x13: {  	[sflag:s1] =	ssyncadd.s32 $0xFFFFD800  }
0x14: {  	_ =	swait.ge [sflag:s2], $0x2800  }
0x15: {  	s24 =	sadd.s32 $0x1, s24;
	s11 =	rddreg [dreg:$0xb]  }
0x16: {  	p1 =	sne.s32 s24, s11  }
.Ltmp1:
0x17: {  	_ = 	snop;
	(pc) =	sbr.rel @!p1 .LBB2_11-.Ltmp1, $3  }
0x18: {  	_ =	sdelay $0x1  }
0x19: {  	[sflag:s2] =	ssyncset.done $0x0  }
0x1a: {  	[sflag:s2] =	ssyncadd.s32 $0xFFFFD800  }
.LBB2_1:
0x1b: {  	s12 =	rddreg [dreg:$0x1]  }
0x1c: {  	s11 =	simm.s32 @!p0 $0x1C05;
	s13 =	rddreg [dreg:$0xc]  }
0x1d: {  	[spmem:s13], [sflag:s11] =	dma.local @!p0 [hbm:s12], $0x640  }
0x1e: {  	s12 =	simm.s32 @!p0 $0x5  }
0x1f: {  	_ =	swait.ge @!p0 [sflag:s12], $0x640  }
0x20: {  	[sflag:s12] =	ssyncset.done @!p0 $0x0  }
0x21: {  	s14 =	rddreg [dreg:$0xd];
	[sflag:s12] =	ssyncadd.s32 @!p0 $0xFFFFF9C0  }
0x22: {  	s13 =	rddreg [dreg:$0x2]  }
0x23: {  	[spmem:s14], [sflag:s11] =	dma.local @!p0 [hbm:s13], $0x640  }
0x24: {  	_ =	swait.ge @!p0 [sflag:s12], $0x640  }
0x25: {  	[sflag:s12] =	ssyncset.done @!p0 $0x0  }
0x26: {  	[sflag:s12] =	ssyncadd.s32 @!p0 $0xFFFFF9C0  }
0x27: {  	s13 =	rddreg [dreg:$0x3]  }
0x28: {  	[spmem:s16], [sflag:s11] =	dma.local @!p0 [hbm:s13], $0x640  }
0x29: {  	_ =	swait.ge @!p0 [sflag:s12], $0x640  }
0x2a: {  	[sflag:s12] =	ssyncset.done @!p0 $0x0  }
0x2b: {  	s29 =	simm.s32 $0x960;
	s28 =	rddreg [dreg:$0x9];
	[sflag:s12] =	ssyncadd.s32 @!p0 $0xFFFFF9C0  }
0x2c: {  	[tilespmem:s29], [sflag:$0x5] =	stream.linear.gather [hbm4b:s28+s9], $0x2710, $0x38;
	[tilespmem:$0x1BFE0] =	vst v63  }
0x2d: {  	_ =	swait.ge [sflag:s18], $0x2710  }
0x2e: {  	[sflag:s18] =	ssyncset.done $0x0  }
0x2f: {  	s31 =	simm.s32 $0x30E0;
	s30 =	rddreg [dreg:$0xa];
	[sflag:s18] =	ssyncadd.s32 $0xFFFFD8F0  }
0x30: {  	[tilespmem:s31], [sflag:$0x5] =	stream.linear.gather [hbm4b:s30+s9], $0x2710, $0x38;
	[tilespmem:$0x1BFE0] =	vst v63  }
0x31: {  	_ =	swait.ge [sflag:s18], $0x2710  }
0x32: {  	[sflag:s18] =	ssyncset.done $0x0  }
0x33: {  	s15 =	simm.s32 $0x5860;
	[sflag:s18] =	ssyncadd.s32 $0xFFFFD8F0  }
0x34: {  	[tilespmem:s15], [sflag:$0x5] =	stream.linear.gather [hbm4b:s10+s9], $0x2710, $0x38;
	[tilespmem:$0x1BFE0] =	vst v63  }
0x35: {  	_ =	swait.ge [sflag:s18], $0x2710  }
0x36: {  	[sflag:s18] =	ssyncset.done $0x0  }
0x37: {  	[sflag:s18] =	ssyncadd.s32 $0xFFFFD8F0  }
0x38: {  	s17 =	simm.s32 $0x7FE0;
	[bflag:$0x0] =	sbarrier.arrive $0xFFFF  }
0x39: {  	[tilespmem:s17], [sflag:$0x1] =	stream.indirect.gather [spmem:s4], $0x80, s29, s21, $0xb8;
	[tilespmem:$0x1BFE0] =	vst v63  }
0x3a: {  	s19 =	simm.s32 $0xA7E0  }
0x3b: {  	[tilespmem:s19], [sflag:$0x1] =	stream.indirect.gather [spmem:s6], $0x80, s31, s21, $0xb8;
	[tilespmem:$0x1BFE0] =	vst v63  }
0x3c: {  	s20 =	simm.s32 $0xCFE0  }
0x3d: {  	[tilespmem:s20], [sflag:$0x1] =	stream.indirect.gather [spmem:s7], $0x80, s15, s21, $0xb8;
	[tilespmem:$0x1BFE0] =	vst v63  }
0x3e: {  	s25 =	simm.s32 $0x9B0;
	s26 =	simm.s32 $0xF7E0  }
0x3f: {  	[tilespmem:s26], [sflag:$0x2] =	stream.indirect.gather [spmem:s4], $0x80, s25, s21, $0xb8;
	[tilespmem:$0x1BFE0] =	vst v63  }
.Ltmp2:
0x40: {  	_ = 	snop;
	(pc) =	sbr.rel .LBB2_2-.Ltmp2, $4  }
0x41: {  	s28 =	simm.s32 $0x3130;
	s29 =	simm.s32 $0x11FE0  }
0x42: {  	[tilespmem:s29], [sflag:$0x2] =	stream.indirect.gather [spmem:s6], $0x80, s28, s21, $0xb8;
	[tilespmem:$0x1BFE0] =	vst v63  }
0x43: {  	s30 =	simm.s32 $0x58B0;
	s31 =	simm.s32 $0x147E0;
	s25 =	simm.s32 $0x0  }
0x44: {  	[tilespmem:s31], [sflag:$0x2] =	stream.indirect.gather [spmem:s7], $0x80, s30, s21, $0xb8;
	[tilespmem:$0x1BFE0] =	vst v63  }
.LBB2_5:
0x45: {  	v7 =	vld [tilespmem:s17+$0xFFFFFFC0]  }
0x46: {  	v43 =	vld [tilespmem:s13+$0xFFFFFFC0];
	_ =	sdelay $0x1  }
0x47: {  	v4 =	vadd.f32 v5, v4;
	v44 =	vld [tilespmem:s12+$0xFFFFFFC0];
	_ =	sdelay $0x1  }
0x48: {  	v4 =	vadd.f32 v6, v4  }
0x49: {  	v5 =	vadd.f32 v43, v7  }
0x4a: {  	[tilespmem:s19+$0x40] =	vst v4  }
0x4b: {  	v4 =	vld [tilespmem:s17+$0x50];
	v5 =	vadd.f32 v44, v5  }
0x4c: {  	v45 =	vld [tilespmem:s13+$0x50]  }
0x4d: {  	v46 =	vld [tilespmem:s12+$0x50];
	[tilespmem:s19+$0xFFFFFFC0] =	vst v5  }
0x4e: {  	v5 =	vld [tilespmem:s17+$0xFFFFFFD0]  }
0x4f: {  	v47 =	vld [tilespmem:s13+$0xFFFFFFD0];
	_ =	sdelay $0x1  }
0x50: {  	v4 =	vadd.f32 v45, v4;
	v48 =	vld [tilespmem:s12+$0xFFFFFFD0];
	_ =	sdelay $0x1  }
0x51: {  	v4 =	vadd.f32 v46, v4  }
0x52: {  	v5 =	vadd.f32 v47, v5  }
0x53: {  	v8 =	vld [tilespmem:s29+$0xFFFFFFE0];
	[tilespmem:s19+$0x50] =	vst v4  }
0x54: {  	v4 =	vld [tilespmem:s17+$0x60];
	v5 =	vadd.f32 v48, v5  }
0x55: {  	v49 =	vld [tilespmem:s13+$0x60]  }
0x56: {  	v50 =	vld [tilespmem:s12+$0x60];
	[tilespmem:s19+$0xFFFFFFD0] =	vst v5  }
0x57: {  	v5 =	vld [tilespmem:s17+$0xFFFFFFE0]  }
0x58: {  	v1 =	vadd.f32 v3, v1;
	v51 =	vld [tilespmem:s13+$0xFFFFFFE0];
	_ =	sdelay $0x1  }
0x59: {  	v1 =	vadd.f32 v8, v1;
	v52 =	vld [tilespmem:s12+$0xFFFFFFE0]  }
0x5a: {  	v4 =	vadd.f32 v49, v4  }
0x5b: {  	[tilespmem:s31+$0xFFFFFFE0] =	vst v1  }
0x5c: {  	v57 =	vld [tilespmem:s28+$0xFFFFFFF0];
	v4 =	vadd.f32 v50, v4;
	v54 =	vadd.f32 v51, v5  }
0x5d: {  	v58 =	vld [tilespmem:s30+$0xFFFFFFF0]  }
0x5e: {  	v9 =	vld [tilespmem:s29+$0xFFFFFFF0];
	[tilespmem:s19+$0x60] =	vst v4;
	v4 =	vadd.f32 v52, v54  }
0x5f: {  	v53 =	vld [tilespmem:s17+$0x70]  }
0x60: {  	v55 =	vld [tilespmem:s13+$0x70];
	[tilespmem:s19+$0xFFFFFFE0] =	vst v4  }
0x61: {  	v4 =	vld [tilespmem:s17+$0xFFFFFFF0]  }
0x62: {  	v59 =	vld [tilespmem:s13+$0xFFFFFFF0]  }
0x63: {  	v56 =	vld [tilespmem:s12+$0x70]  }
0x64: {  	v10 =	vld [tilespmem:s12+$0xFFFFFFF0]  }
0x65: {  	v60 =	vadd.f32 v58, v57  }
0x66: {  	v0 =	vadd.f32 v0, v2;
	v3 =	vadd.f32 v55, v53  }
0x67: {  	s11 =	smul.u32 $0x50, s25;
	v62 =	vadd.f32 v9, v60;
	v61 =	vadd.f32 v59, v4  }
0x68: {  	[tilespmem:s26+$0xFFFFFFF0] =	vst v0;
	v1 =	vadd.f32 v56, v3  }
0x69: {  	s30 =	sadd.s32 s8, s11;
	[tilespmem:s31+$0xFFFFFFF0] =	vst v62;
	v63 =	vadd.f32 v10, v61  }
0x6a: {  	s12 =	sshll.u32 s30, $0x4;
	[tilespmem:s19+$0x70] =	vst v1  }
0x6b: {  	p1 =	sgt.u32 s25, $0x7A;
	s12 =	sadd.s32 s3, s12;
	[tilespmem:s19+$0xFFFFFFF0] =	vst v63  }
0x6c: {  	[hbm4b:s12+s9] =	stream.linear.scatter [tilespmem:s23], [sflag:$0x3], $0x2800, $0x38;
	[tilespmem:$0x1BFE0] =	vst v63  }
0x6d: {  	s14 =	simm.s32 @!p1 $0x7FE0;
	s13 =	simm.s32 @!p1 $0x50;
	s12 =	sadd.s32 @!p1 $0xA00, s11  }
0x6e: {  	[tilespmem:s14], [sflag:$0x1] =	stream.indirect.gather @!p1 [spmem:s4], $0x80, s12, s13, $0xb8;
	[tilespmem:$0x1BFE0] =	vst v63  }
0x6f: {  	s12 =	sadd.s32 @!p1 $0x3180, s11;
	s14 =	simm.s32 @!p1 $0xA7E0  }
0x70: {  	[tilespmem:s14], [sflag:$0x1] =	stream.indirect.gather @!p1 [spmem:s6], $0x80, s12, s13, $0xb8;
	[tilespmem:$0x1BFE0] =	vst v63  }
0x71: {  	s11 =	sadd.s32 @!p1 $0x5900, s11;
	s12 =	simm.s32 @!p1 $0xCFE0  }
0x72: {  	[tilespmem:s12], [sflag:$0x1] =	stream.indirect.gather @!p1 [spmem:s7], $0x80, s11, s13, $0xb8;
	[tilespmem:$0x1BFE0] =	vst v63  }
.LBB2_9:
0x73: {  	s25 =	sadd.s32 $0x1, s25  }
0x74: {  	p1 =	sne.s32 s25, $0x7D  }
.Ltmp3:
0x75: {  	_ = 	snop;
	(pc) =	sbr.rel @!p1 .LBB2_10-.Ltmp3, $1  }
0x76: {  	_ =	sdelay $0x3  }
.LBB2_2:
0x77: {  	s11 =	sand.u32 $0x1, s25  }
0x78: {  	p2 =	seq.s32 s11, $0x1  }
.Ltmp4:
0x79: {  	_ = 	snop;
	(pc) =	sbr.rel @!p2 .LBB2_3-.Ltmp4, $2  }
0x7a: {  	_ =	sdelay $0x2  }
0x7b: {  	p1 =	slt.u32 s25, $0x2  }
0x7c: {  	_ =	swait.ge [sflag:s5], $0x2800  }
0x7d: {  	[sflag:s5] =	ssyncset.done $0x0  }
0x7e: {  	[sflag:s5] =	ssyncadd.s32 $0xFFFFD800  }
0x7f: {  	_ =	swait.ge [sflag:s5], $0x2800  }
0x80: {  	[sflag:s5] =	ssyncset.done $0x0  }
0x81: {  	[sflag:s5] =	ssyncadd.s32 $0xFFFFD800  }
0x82: {  	_ =	swait.ge [sflag:s5], $0x2800  }
0x83: {  	[sflag:s5] =	ssyncset.done $0x0  }
0x84: {  	s11 =	simm.s32 @!p1 $0x4;
	[sflag:s5] =	ssyncadd.s32 $0xFFFFD800  }
0x85: {  	_ =	swait.ge @!p1 [sflag:s11], $0x2800  }
0x86: {  	[sflag:s11] =	ssyncset.done @!p1 $0x0  }
0x87: {  	s14 =	simm.s32 $0xF860;
	[sflag:s11] =	ssyncadd.s32 @!p1 $0xFFFFD800  }
0x88: {  	s12 =	simm.s32 $0x12060;
	v0 =	vld [tilespmem:s14+$0x0]  }
0x89: {  	v1 =	vld [tilespmem:s12+$0x0]  }
0x8a: {  	s13 =	simm.s32 $0x14860  }
0x8b: {  	v2 =	vld [tilespmem:s13+$0x0];
	_ =	sdelay $0x2  }
0x8c: {  	v0 =	vadd.f32 v1, v0;
	_ =	sdelay $0x1  }
0x8d: {  	v0 =	vadd.f32 v2, v0  }
0x8e: {  	s26 =	simm.s32 $0x19860  }
0x8f: {  	[tilespmem:s26+$0x0] =	vst v0  }
0x90: {  	v0 =	vld [tilespmem:s14+$0x10]  }
0x91: {  	v1 =	vld [tilespmem:s12+$0x10];
	_ =	sdelay $0x1  }
0x92: {  	v2 =	vld [tilespmem:s13+$0x10];
	_ =	sdelay $0x1  }
0x93: {  	v3 =	vld [tilespmem:s12+$0xFFFFFF80]  }
0x94: {  	v0 =	vadd.f32 v1, v0;
	v1 =	vld [tilespmem:s14+$0xFFFFFF80];
	_ =	sdelay $0x1  }
0x95: {  	v0 =	vadd.f32 v2, v0;
	v2 =	vld [tilespmem:s13+$0xFFFFFF80];
	_ =	sdelay $0x1  }
0x96: {  	[tilespmem:s26+$0x10] =	vst v0  }
0x97: {  	v0 =	vld [tilespmem:s14+$0x20];
	v1 =	vadd.f32 v3, v1  }
0x98: {  	v3 =	vld [tilespmem:s12+$0x20]  }
0x99: {  	v1 =	vadd.f32 v2, v1  }
0x9a: {  	v2 =	vld [tilespmem:s13+$0x20]  }
0x9b: {  	[tilespmem:s26+$0xFFFFFF80] =	vst v1  }
0x9c: {  	v1 =	vld [tilespmem:s14+$0xFFFFFF90]  }
0x9d: {  	v0 =	vadd.f32 v3, v0;
	v3 =	vld [tilespmem:s12+$0xFFFFFF90];
	_ =	sdelay $0x1  }
0x9e: {  	v0 =	vadd.f32 v2, v0;
	v2 =	vld [tilespmem:s13+$0xFFFFFF90];
	_ =	sdelay $0x1  }
0x9f: {  	[tilespmem:s26+$0x20] =	vst v0  }
0xa0: {  	v0 =	vld [tilespmem:s14+$0x30];
	v1 =	vadd.f32 v3, v1  }
0xa1: {  	v3 =	vld [tilespmem:s12+$0x30]  }
0xa2: {  	v1 =	vadd.f32 v2, v1  }
0xa3: {  	v2 =	vld [tilespmem:s13+$0x30]  }
0xa4: {  	[tilespmem:s26+$0xFFFFFF90] =	vst v1  }
0xa5: {  	v1 =	vld [tilespmem:s14+$0xFFFFFFA0]  }
0xa6: {  	v0 =	vadd.f32 v3, v0;
	v3 =	vld [tilespmem:s12+$0xFFFFFFA0];
	_ =	sdelay $0x1  }
0xa7: {  	s28 =	simm.s32 $0xF960;
	v0 =	vadd.f32 v2, v0;
	v2 =	vld [tilespmem:s13+$0xFFFFFFA0]  }
0xa8: {  	s17 =	simm.s32 $0xFA60;
	v4 =	vld [tilespmem:s28+$0x0]  }
0xa9: {  	v11 =	vld [tilespmem:s17+$0x0];
	[tilespmem:s26+$0x30] =	vst v0  }
0xaa: {  	v0 =	vld [tilespmem:s14+$0x40];
	v1 =	vadd.f32 v3, v1  }
0xab: {  	s30 =	simm.s32 $0x12160;
	v3 =	vld [tilespmem:s12+$0x40]  }
0xac: {  	v1 =	vadd.f32 v2, v1;
	v2 =	vld [tilespmem:s30+$0x0]  }
0xad: {  	s29 =	simm.s32 $0x14960;
	v5 =	vld [tilespmem:s13+$0x40]  }
0xae: {  	[tilespmem:s26+$0xFFFFFFA0] =	vst v1;
	v1 =	vld [tilespmem:s29+$0x0]  }
0xaf: {  	v6 =	vld [tilespmem:s14+$0xFFFFFFB0]  }
0xb0: {  	v7 =	vld [tilespmem:s12+$0xFFFFFFB0];
	v0 =	vadd.f32 v3, v0  }
0xb1: {  	v3 =	vld [tilespmem:s13+$0xFFFFFFB0];
	v2 =	vadd.f32 v2, v4  }
0xb2: {  	v4 =	vld [tilespmem:s30+$0xFFFFFF80];
	v0 =	vadd.f32 v5, v0  }
0xb3: {  	v5 =	vld [tilespmem:s28+$0xFFFFFF80];
	v1 =	vadd.f32 v1, v2  }
0xb4: {  	s31 =	simm.s32 $0x19960;
	v2 =	vld [tilespmem:s29+$0xFFFFFF80];
	[tilespmem:s26+$0x40] =	vst v0  }
0xb5: {  	v0 =	vadd.f32 v7, v6;
	v6 =	vld [tilespmem:s14+$0x50];
	[tilespmem:s31+$0x0] =	vst v1  }
0xb6: {  	v1 =	vld [tilespmem:s28+$0x10]  }
0xb7: {  	v0 =	vadd.f32 v3, v0;
	v3 =	vld [tilespmem:s30+$0x10]  }
0xb8: {  	v7 =	vld [tilespmem:s12+$0x50];
	v4 =	vadd.f32 v4, v5  }
0xb9: {  	[tilespmem:s26+$0xFFFFFFB0] =	vst v0;
	v0 =	vld [tilespmem:s29+$0x10]  }
0xba: {  	v2 =	vadd.f32 v2, v4;
	v4 =	vld [tilespmem:s13+$0x50]  }
0xbb: {  	v5 =	vld [tilespmem:s14+$0xFFFFFFC0]  }
0xbc: {  	v8 =	vld [tilespmem:s12+$0xFFFFFFC0];
	[tilespmem:s31+$0xFFFFFF80] =	vst v2;
	v1 =	vadd.f32 v3, v1  }
0xbd: {  	v2 =	vld [tilespmem:s28+$0xFFFFFF90]  }
0xbe: {  	v3 =	vadd.f32 v7, v6;
	v6 =	vld [tilespmem:s30+$0xFFFFFF90];
	v0 =	vadd.f32 v0, v1  }
0xbf: {  	v1 =	vld [tilespmem:s13+$0xFFFFFFC0]  }
0xc0: {  	v3 =	vadd.f32 v4, v3;
	v4 =	vld [tilespmem:s29+$0xFFFFFF90];
	[tilespmem:s31+$0x10] =	vst v0  }
0xc1: {  	v0 =	vld [tilespmem:s28+$0x20]  }
0xc2: {  	s20 =	simm.s32 $0x12260;
	v5 =	vadd.f32 v8, v5;
	[tilespmem:s26+$0x50] =	vst v3;
	v3 =	vld [tilespmem:s30+$0x20]  }
0xc3: {  	v12 =	vld [tilespmem:s20+$0xFFFFFF80]  }
0xc4: {  	v2 =	vadd.f32 v6, v2;
	v1 =	vadd.f32 v1, v5;
	v5 =	vld [tilespmem:s29+$0x20]  }
0xc5: {  	v7 =	vld [tilespmem:s14+$0x60]  }
0xc6: {  	v6 =	vld [tilespmem:s12+$0x60];
	v2 =	vadd.f32 v4, v2  }
0xc7: {  	[tilespmem:s26+$0xFFFFFFC0] =	vst v1;
	v1 =	vld [tilespmem:s13+$0x60];
	v0 =	vadd.f32 v3, v0  }
0xc8: {  	[tilespmem:s31+$0xFFFFFF90] =	vst v2;
	v4 =	vld [tilespmem:s14+$0xFFFFFFD0]  }
0xc9: {  	v2 =	vld [tilespmem:s28+$0xFFFFFFA0];
	v0 =	vadd.f32 v5, v0  }
0xca: {  	v3 =	vld [tilespmem:s30+$0xFFFFFFA0]  }
0xcb: {  	v6 =	vadd.f32 v6, v7;
	v5 =	vld [tilespmem:s29+$0xFFFFFFA0];
	[tilespmem:s31+$0x20] =	vst v0  }
0xcc: {  	v0 =	vld [tilespmem:s28+$0x30]  }
0xcd: {  	v1 =	vadd.f32 v1, v6;
	v6 =	vld [tilespmem:s30+$0x30]  }
0xce: {  	v7 =	vld [tilespmem:s12+$0xFFFFFFD0]  }
0xcf: {  	v2 =	vadd.f32 v3, v2;
	[tilespmem:s26+$0x60] =	vst v1;
	v1 =	vld [tilespmem:s29+$0x30]  }
0xd0: {  	v3 =	vld [tilespmem:s13+$0xFFFFFFD0]  }
0xd1: {  	v8 =	vld [tilespmem:s14+$0x70];
	v2 =	vadd.f32 v5, v2  }
0xd2: {  	v5 =	vld [tilespmem:s12+$0x70];
	v0 =	vadd.f32 v6, v0  }
0xd3: {  	v4 =	vadd.f32 v7, v4;
	v7 =	vld [tilespmem:s13+$0x70];
	[tilespmem:s31+$0xFFFFFFA0] =	vst v2  }
0xd4: {  	v2 =	vld [tilespmem:s28+$0xFFFFFFB0];
	v0 =	vadd.f32 v1, v0  }
0xd5: {  	v3 =	vadd.f32 v3, v4;
	v4 =	vld [tilespmem:s30+$0xFFFFFFB0]  }
0xd6: {  	v1 =	vld [tilespmem:s29+$0xFFFFFFB0];
	[tilespmem:s31+$0x30] =	vst v0  }
0xd7: {  	[tilespmem:s26+$0xFFFFFFD0] =	vst v3;
	v3 =	vld [tilespmem:s28+$0x40]  }
0xd8: {  	v6 =	vld [tilespmem:s30+$0x40]  }
0xd9: {  	v9 =	vld [tilespmem:s12+$0xFFFFFFE0]  }
0xda: {  	v10 =	vld [tilespmem:s29+$0x40]  }
0xdb: {  	v2 =	vadd.f32 v4, v2;
	v4 =	vld [tilespmem:s20+$0x0]  }
0xdc: {  	s11 =	simm.s32 $0x14A60;
	v54 =	vld [tilespmem:s13+$0xFFFFFFE0]  }
0xdd: {  	v1 =	vadd.f32 v1, v2;
	v2 =	vld [tilespmem:s11+$0x0];
	v3 =	vadd.f32 v6, v3  }
0xde: {  	v0 =	vld [tilespmem:s14+$0xFFFFFFE0]  }
0xdf: {  	v6 =	vld [tilespmem:s17+$0xFFFFFF80];
	v3 =	vadd.f32 v10, v3  }
0xe0: {  	[tilespmem:s31+$0xFFFFFFB0] =	vst v1;
	v1 =	vld [tilespmem:s11+$0xFFFFFF80];
	v4 =	vadd.f32 v4, v11  }
0xe1: {  	v50 =	vld [tilespmem:s28+$0xFFFFFFC0];
	[tilespmem:s31+$0x40] =	vst v3  }
0xe2: {  	v2 =	vadd.f32 v2, v4;
	v3 =	vld [tilespmem:s28+$0x50]  }
0xe3: {  	s19 =	simm.s32 $0x19A60;
	v4 =	vld [tilespmem:s30+$0x50]  }
0xe4: {  	[tilespmem:s19+$0x0] =	vst v2;
	v6 =	vadd.f32 v12, v6;
	v2 =	vld [tilespmem:s29+$0x50]  }
0xe5: {  	v52 =	vld [tilespmem:s17+$0x10]  }
0xe6: {  	v1 =	vadd.f32 v1, v6;
	v6 =	vld [tilespmem:s20+$0x10]  }
0xe7: {  	v51 =	vld [tilespmem:s30+$0xFFFFFFC0]  }
0xe8: {  	[tilespmem:s19+$0xFFFFFF80] =	vst v1;
	v1 =	vld [tilespmem:s11+$0x10];
	v3 =	vadd.f32 v4, v3  }
0xe9: {  	v4 =	vld [tilespmem:s17+$0xFFFFFF90]  }
0xea: {  	v2 =	vadd.f32 v2, v3;
	v3 =	vld [tilespmem:s20+$0xFFFFFF90]  }
0xeb: {  	v13 =	vld [tilespmem:s29+$0xFFFFFFC0];
	v6 =	vadd.f32 v6, v52  }
0xec: {  	v53 =	vld [tilespmem:s11+$0xFFFFFF90];
	[tilespmem:s31+$0x50] =	vst v2  }
0xed: {  	v0 =	vadd.f32 v9, v0;
	v1 =	vadd.f32 v1, v6;
	v2 =	vld [tilespmem:s28+$0x60]  }
0xee: {  	v6 =	vld [tilespmem:s30+$0x60]  }
0xef: {  	v0 =	vadd.f32 v54, v0;
	[tilespmem:s19+$0x10] =	vst v1;
	v1 =	vld [tilespmem:s29+$0x60];
	v3 =	vadd.f32 v3, v4  }
0xf0: {  	v4 =	vld [tilespmem:s17+$0x20]  }
0xf1: {  	[tilespmem:s26+$0xFFFFFFE0] =	vst v0;
	v10 =	vadd.f32 v51, v50;
	v55 =	vld [tilespmem:s20+$0x20];
	v3 =	vadd.f32 v53, v3  }
0xf2: {  	v63 =	vld [tilespmem:s14+$0xFFFFFFF0]  }
0xf3: {  	v10 =	vadd.f32 v13, v10;
	v2 =	vadd.f32 v6, v2;
	[tilespmem:s19+$0xFFFFFF90] =	vst v3;
	v3 =	vld [tilespmem:s11+$0x20]  }
0xf4: {  	v6 =	vld [tilespmem:s17+$0xFFFFFFA0]  }
0xf5: {  	[tilespmem:s31+$0xFFFFFFC0] =	vst v10;
	v1 =	vadd.f32 v1, v2;
	v2 =	vld [tilespmem:s20+$0xFFFFFFA0]  }
0xf6: {  	v56 =	vld [tilespmem:s28+$0xFFFFFFD0];
	v4 =	vadd.f32 v55, v4  }
0xf7: {  	v57 =	vld [tilespmem:s11+$0xFFFFFFA0]  }
0xf8: {  	v58 =	vld [tilespmem:s30+$0xFFFFFFD0];
	v3 =	vadd.f32 v3, v4  }
0xf9: {  	v60 =	vld [tilespmem:s29+$0xFFFFFFD0];
	[tilespmem:s31+$0x60] =	vst v1  }
0xfa: {  	v1 =	vld [tilespmem:s28+$0x70];
	v2 =	vadd.f32 v2, v6;
	[tilespmem:s19+$0x20] =	vst v3  }
0xfb: {  	v6 =	vld [tilespmem:s17+$0x30]  }
0xfc: {  	v2 =	vadd.f32 v57, v2;
	v59 =	vld [tilespmem:s20+$0x30]  }
0xfd: {  	v4 =	vld [tilespmem:s30+$0x70]  }
0xfe: {  	[tilespmem:s19+$0xFFFFFFA0] =	vst v2;
	v2 =	vld [tilespmem:s11+$0x30]  }
0xff: {  	v10 =	vadd.f32 v58, v56;
	v61 =	vld [tilespmem:s17+$0xFFFFFFB0]  }
0x100: {  	v62 =	vld [tilespmem:s20+$0xFFFFFFB0]  }
0x101: {  	v9 =	vadd.f32 v60, v10;
	v3 =	vld [tilespmem:s29+$0x70];
	v0 =	vadd.f32 v59, v6  }
0x102: {  	v6 =	vld [tilespmem:s11+$0xFFFFFFB0]  }
0x103: {  	v5 =	vadd.f32 v5, v8;
	v8 =	vld [tilespmem:s12+$0xFFFFFFF0];
	[tilespmem:s31+$0xFFFFFFD0] =	vst v9;
	v2 =	vadd.f32 v2, v0  }
0x104: {  	v4 =	vadd.f32 v4, v1;
	v1 =	vld [tilespmem:s28+$0xFFFFFFE0]  }
0x105: {  	v5 =	vadd.f32 v7, v5;
	v0 =	vld [tilespmem:s13+$0xFFFFFFF0];
	v7 =	vadd.f32 v62, v61;
	[tilespmem:s19+$0x30] =	vst v2  }
0x106: {  	v2 =	vadd.f32 v3, v4;
	v4 =	vld [tilespmem:s17+$0x40]  }
0x107: {  	[tilespmem:s26+$0x70] =	vst v5;
	v6 =	vadd.f32 v6, v7;
	v5 =	vld [tilespmem:s20+$0x40]  }
0x108: {  	s15 =	simm.s32 $0xFB60;
	v3 =	vld [tilespmem:s30+$0xFFFFFFE0];
	[tilespmem:s31+$0x70] =	vst v2;
	v2 =	vadd.f32 v8, v63  }
0x109: {  	s14 =	simm.s32 $0x4;
	s12 =	simm.s32 $0x14A60;
	s13 =	simm.s32 $0x12260;
	[tilespmem:s19+$0xFFFFFFB0] =	vst v6;
	v6 =	vld [tilespmem:s11+$0x40]  }
.LBB2_7:
0x10a: {  	v7 =	vld [tilespmem:s15+$0x0];
	s20 =	sadd.s32 $0x100, s20;
	v0 =	vadd.f32 v0, v2  }
0x10b: {  	v2 =	vld [tilespmem:s20+$0x0]  }
0x10c: {  	s11 =	sadd.s32 $0x100, s11;
	v8 =	vld [tilespmem:s20+$0xFFFFFF80];
	v4 =	vadd.f32 v5, v4;
	[tilespmem:s26+$0xFFFFFFF0] =	vst v0;
	s26 =	smov.u32 s31;
	s31 =	smov.u32 s19  }
0x10d: {  	v0 =	vld [tilespmem:s11+$0x0];
	v1 =	vadd.f32 v3, v1  }
0x10e: {  	v3 =	vld [tilespmem:s15+$0xFFFFFF80];
	v4 =	vadd.f32 v6, v4  }
0x10f: {  	v5 =	vld [tilespmem:s11+$0xFFFFFF80]  }
0x110: {  	v2 =	vadd.f32 v2, v7;
	v6 =	vld [tilespmem:s17+$0xFFFFFFC0];
	[tilespmem:s19+$0x40] =	vst v4  }
0x111: {  	v4 =	vld [tilespmem:s17+$0x50]  }
0x112: {  	s14 =	sadd.s32 $0x2, s14;
	v0 =	vadd.f32 v0, v2;
	v2 =	vld [tilespmem:s13+$0x50]  }
0x113: {  	p1 =	slt.u32 s14, $0x4E;
	s19 =	sadd.s32 $0x100, s19;
	v3 =	vadd.f32 v8, v3;
	v7 =	vld [tilespmem:s13+$0xFFFFFFC0]  }
0x114: {  	[tilespmem:s19+$0x0] =	vst v0;
	v0 =	vld [tilespmem:s12+$0x50]  }
0x115: {  	v3 =	vadd.f32 v5, v3;
	v5 =	vld [tilespmem:s15+$0x10]  }
0x116: {  	v8 =	vld [tilespmem:s20+$0x10]  }
0x117: {  	[tilespmem:s19+$0xFFFFFF80] =	vst v3;
	v3 =	vld [tilespmem:s12+$0xFFFFFFC0];
	v2 =	vadd.f32 v2, v4  }
0x118: {  	v4 =	vld [tilespmem:s11+$0x10];
	v6 =	vadd.f32 v7, v6  }
0x119: {  	v7 =	vld [tilespmem:s15+$0xFFFFFF90];
	v0 =	vadd.f32 v0, v2  }
0x11a: {  	v2 =	vld [tilespmem:s20+$0xFFFFFF90]  }
0x11b: {  	v9 =	vld [tilespmem:s11+$0xFFFFFF90];
	v5 =	vadd.f32 v8, v5;
	[tilespmem:s31+$0x50] =	vst v0  }
0x11c: {  	v0 =	vadd.f32 v3, v6;
	v3 =	vld [tilespmem:s17+$0x60]  }
0x11d: {  	v4 =	vadd.f32 v4, v5;
	v5 =	vld [tilespmem:s13+$0x60]  }
0x11e: {  	[tilespmem:s31+$0xFFFFFFC0] =	vst v0;
	v0 =	vld [tilespmem:s29+$0xFFFFFFE0]  }
0x11f: {  	v2 =	vadd.f32 v2, v7;
	[tilespmem:s19+$0x10] =	vst v4;
	v4 =	vld [tilespmem:s12+$0x60]  }
0x120: {  	v6 =	vld [tilespmem:s15+$0x20]  }
0x121: {  	v2 =	vadd.f32 v9, v2;
	v7 =	vld [tilespmem:s20+$0x20]  }
0x122: {  	v8 =	vld [tilespmem:s17+$0xFFFFFFD0];
	v3 =	vadd.f32 v5, v3  }
0x123: {  	[tilespmem:s19+$0xFFFFFF90] =	vst v2;
	v2 =	vld [tilespmem:s11+$0x20];
	v0 =	vadd.f32 v0, v1  }
0x124: {  	v1 =	vld [tilespmem:s15+$0xFFFFFFA0];
	v3 =	vadd.f32 v4, v3  }
0x125: {  	v4 =	vld [tilespmem:s20+$0xFFFFFFA0];
	[tilespmem:s26+$0xFFFFFFE0] =	vst v0  }
0x126: {  	v0 =	vld [tilespmem:s11+$0xFFFFFFA0];
	v5 =	vadd.f32 v7, v6;
	[tilespmem:s31+$0x60] =	vst v3  }
0x127: {  	v3 =	vld [tilespmem:s17+$0x70]  }
0x128: {  	v2 =	vadd.f32 v2, v5;
	v5 =	vld [tilespmem:s13+$0x70]  }
0x129: {  	v6 =	vld [tilespmem:s13+$0xFFFFFFD0]  }
0x12a: {  	v1 =	vadd.f32 v4, v1;
	[tilespmem:s19+$0x20] =	vst v2;
	v2 =	vld [tilespmem:s12+$0x70]  }
0x12b: {  	v4 =	vld [tilespmem:s15+$0x30]  }
0x12c: {  	v0 =	vadd.f32 v0, v1;
	v1 =	vld [tilespmem:s20+$0x30]  }
0x12d: {  	v7 =	vld [tilespmem:s12+$0xFFFFFFD0];
	v3 =	vadd.f32 v5, v3  }
0x12e: {  	[tilespmem:s19+$0xFFFFFFA0] =	vst v0;
	v0 =	vld [tilespmem:s11+$0x30];
	v5 =	vadd.f32 v6, v8  }
0x12f: {  	v6 =	vld [tilespmem:s15+$0xFFFFFFB0];
	v2 =	vadd.f32 v2, v3  }
0x130: {  	v3 =	vld [tilespmem:s20+$0xFFFFFFB0]  }
0x131: {  	v8 =	vld [tilespmem:s11+$0xFFFFFFB0];
	v1 =	vadd.f32 v1, v4;
	[tilespmem:s31+$0x70] =	vst v2  }
0x132: {  	v2 =	vadd.f32 v7, v5;
	v7 =	vld [tilespmem:s28+$0xFFFFFFF0];
	s28 =	smov.u32 s17;
	s17 =	smov.u32 s15  }
0x133: {  	v1 =	vadd.f32 v0, v1;
	v9 =	vld [tilespmem:s30+$0xFFFFFFF0];
	s30 =	smov.u32 s13;
	s13 =	smov.u32 s20  }
0x134: {  	[tilespmem:s31+$0xFFFFFFD0] =	vst v2;
	v0 =	vld [tilespmem:s29+$0xFFFFFFF0];
	s29 =	smov.u32 s12;
	s12 =	smov.u32 s11  }
.Ltmp5:
0x135: {  	v2 =	vadd.f32 v3, v6;
	[tilespmem:s19+$0x30] =	vst v1;
	v1 =	vld [tilespmem:s28+$0xFFFFFFE0];
	(pc) =	sbr.rel @p1 .LBB2_7-.Ltmp5, $4  }
0x136: {  	v4 =	vld [tilespmem:s15+$0x40]  }
0x137: {  	v6 =	vadd.f32 v8, v2;
	v5 =	vld [tilespmem:s20+$0x40]  }
0x138: {  	v3 =	vld [tilespmem:s30+$0xFFFFFFE0];
	v2 =	vadd.f32 v9, v7  }
0x139: {  	s15 =	sadd.s32 $0x100, s15;
	[tilespmem:s19+$0xFFFFFFB0] =	vst v6;
	v6 =	vld [tilespmem:s11+$0x40]  }
0x13a: {  	v7 =	vld [tilespmem:s17+$0xFFFFFFC0]  }
0x13b: {  	v43 =	vld [tilespmem:s13+$0xFFFFFFC0];
	_ =	sdelay $0x1  }
0x13c: {  	v44 =	vld [tilespmem:s12+$0xFFFFFFC0];
	v4 =	vadd.f32 v5, v4;
	_ =	sdelay $0x1  }
0x13d: {  	v4 =	vadd.f32 v6, v4  }
0x13e: {  	v5 =	vadd.f32 v43, v7  }
0x13f: {  	[tilespmem:s19+$0x40] =	vst v4  }
0x140: {  	v4 =	vld [tilespmem:s17+$0x50];
	v5 =	vadd.f32 v44, v5  }
0x141: {  	v45 =	vld [tilespmem:s13+$0x50]  }
0x142: {  	v46 =	vld [tilespmem:s12+$0x50];
	[tilespmem:s19+$0xFFFFFFC0] =	vst v5  }
0x143: {  	v5 =	vld [tilespmem:s17+$0xFFFFFFD0]  }
0x144: {  	v47 =	vld [tilespmem:s13+$0xFFFFFFD0];
	_ =	sdelay $0x1  }
0x145: {  	v48 =	vld [tilespmem:s12+$0xFFFFFFD0];
	v4 =	vadd.f32 v45, v4;
	_ =	sdelay $0x1  }
0x146: {  	v4 =	vadd.f32 v46, v4  }
0x147: {  	v5 =	vadd.f32 v47, v5  }
0x148: {  	v8 =	vld [tilespmem:s29+$0xFFFFFFE0];
	[tilespmem:s19+$0x50] =	vst v4  }
0x149: {  	v4 =	vld [tilespmem:s17+$0x60];
	v5 =	vadd.f32 v48, v5  }
0x14a: {  	v49 =	vld [tilespmem:s13+$0x60]  }
0x14b: {  	v50 =	vld [tilespmem:s12+$0x60];
	[tilespmem:s19+$0xFFFFFFD0] =	vst v5  }
0x14c: {  	v5 =	vld [tilespmem:s17+$0xFFFFFFE0]  }
0x14d: {  	v1 =	vadd.f32 v3, v1;
	v51 =	vld [tilespmem:s13+$0xFFFFFFE0];
	_ =	sdelay $0x1  }
0x14e: {  	v1 =	vadd.f32 v8, v1;
	v52 =	vld [tilespmem:s12+$0xFFFFFFE0]  }
0x14f: {  	v4 =	vadd.f32 v49, v4  }
0x150: {  	[tilespmem:s31+$0xFFFFFFE0] =	vst v1  }
0x151: {  	v57 =	vld [tilespmem:s28+$0xFFFFFFF0];
	v4 =	vadd.f32 v50, v4;
	v54 =	vadd.f32 v51, v5  }
0x152: {  	v58 =	vld [tilespmem:s30+$0xFFFFFFF0]  }
0x153: {  	v9 =	vld [tilespmem:s29+$0xFFFFFFF0];
	[tilespmem:s19+$0x60] =	vst v4;
	v4 =	vadd.f32 v52, v54  }
0x154: {  	v53 =	vld [tilespmem:s17+$0x70]  }
0x155: {  	v55 =	vld [tilespmem:s13+$0x70];
	[tilespmem:s19+$0xFFFFFFE0] =	vst v4  }
0x156: {  	v4 =	vld [tilespmem:s17+$0xFFFFFFF0]  }
0x157: {  	v59 =	vld [tilespmem:s13+$0xFFFFFFF0]  }
0x158: {  	v56 =	vld [tilespmem:s12+$0x70]  }
0x159: {  	v10 =	vld [tilespmem:s12+$0xFFFFFFF0]  }
0x15a: {  	v60 =	vadd.f32 v58, v57  }
0x15b: {  	v0 =	vadd.f32 v0, v2;
	v3 =	vadd.f32 v55, v53  }
0x15c: {  	s11 =	smul.u32 $0x50, s25;
	v62 =	vadd.f32 v9, v60;
	v61 =	vadd.f32 v59, v4  }
0x15d: {  	[tilespmem:s26+$0xFFFFFFF0] =	vst v0;
	v1 =	vadd.f32 v56, v3  }
0x15e: {  	s30 =	sadd.s32 s8, s11;
	[tilespmem:s31+$0xFFFFFFF0] =	vst v62;
	v63 =	vadd.f32 v10, v61  }
0x15f: {  	s12 =	sshll.u32 s30, $0x4;
	[tilespmem:s19+$0x70] =	vst v1  }
0x160: {  	p1 =	sgt.u32 s25, $0x7A;
	s12 =	sadd.s32 s3, s12;
	[tilespmem:s19+$0xFFFFFFF0] =	vst v63  }
0x161: {  	[hbm4b:s12+s9] =	stream.linear.scatter [tilespmem:s0], [sflag:$0x4], $0x2800, $0x38;
	[tilespmem:$0x1BFE0] =	vst v63  }
0x162: {  	s14 =	simm.s32 @!p1 $0xF7E0;
	s13 =	simm.s32 @!p1 $0x50;
	s12 =	sadd.s32 @!p1 $0xA00, s11  }
0x163: {  	[tilespmem:s14], [sflag:$0x2] =	stream.indirect.gather @!p1 [spmem:s4], $0x80, s12, s13, $0xb8;
	[tilespmem:$0x1BFE0] =	vst v63  }
.Ltmp6:
0x164: {  	_ = 	snop;
	(pc) =	sbr.rel .LBB2_9-.Ltmp6, $4  }
0x165: {  	s12 =	sadd.s32 @!p1 $0x3180, s11;
	s14 =	simm.s32 @!p1 $0x11FE0  }
0x166: {  	[tilespmem:s14], [sflag:$0x2] =	stream.indirect.gather @!p1 [spmem:s6], $0x80, s12, s13, $0xb8;
	[tilespmem:$0x1BFE0] =	vst v63  }
0x167: {  	s11 =	sadd.s32 @!p1 $0x5900, s11;
	s12 =	simm.s32 @!p1 $0x147E0  }
0x168: {  	[tilespmem:s12], [sflag:$0x2] =	stream.indirect.gather @!p1 [spmem:s7], $0x80, s11, s13, $0xb8;
	[tilespmem:$0x1BFE0] =	vst v63  }
.LBB2_3:
0x169: {  	_ =	swait.ge [sflag:s22], $0x2800  }
0x16a: {  	[sflag:s22] =	ssyncset.done $0x0  }
0x16b: {  	[sflag:s22] =	ssyncadd.s32 $0xFFFFD800  }
0x16c: {  	_ =	swait.ge [sflag:s22], $0x2800  }
0x16d: {  	[sflag:s22] =	ssyncset.done $0x0  }
0x16e: {  	[sflag:s22] =	ssyncadd.s32 $0xFFFFD800  }
0x16f: {  	_ =	swait.ge [sflag:s22], $0x2800  }
0x170: {  	[sflag:s22] =	ssyncset.done $0x0  }
0x171: {  	s11 =	simm.s32 @!p1 $0x3;
	[sflag:s22] =	ssyncadd.s32 $0xFFFFD800  }
0x172: {  	_ =	swait.ge @!p1 [sflag:s11], $0x2800  }
0x173: {  	[sflag:s11] =	ssyncset.done @!p1 $0x0  }
0x174: {  	s14 =	simm.s32 $0x8060;
	[sflag:s11] =	ssyncadd.s32 @!p1 $0xFFFFD800  }
0x175: {  	s12 =	simm.s32 $0xA860;
	v0 =	vld [tilespmem:s14+$0x0]  }
0x176: {  	v1 =	vld [tilespmem:s12+$0x0]  }
0x177: {  	s13 =	simm.s32 $0xD060  }
0x178: {  	v2 =	vld [tilespmem:s13+$0x0];
	_ =	sdelay $0x2  }
0x179: {  	v0 =	vadd.f32 v1, v0;
	_ =	sdelay $0x1  }
0x17a: {  	v0 =	vadd.f32 v2, v0  }
0x17b: {  	s26 =	simm.s32 $0x17060  }
0x17c: {  	[tilespmem:s26+$0x0] =	vst v0  }
0x17d: {  	v0 =	vld [tilespmem:s14+$0x10]  }
0x17e: {  	v1 =	vld [tilespmem:s12+$0x10];
	_ =	sdelay $0x1  }
0x17f: {  	v2 =	vld [tilespmem:s13+$0x10];
	_ =	sdelay $0x1  }
0x180: {  	v3 =	vld [tilespmem:s12+$0xFFFFFF80]  }
0x181: {  	v0 =	vadd.f32 v1, v0;
	v1 =	vld [tilespmem:s14+$0xFFFFFF80];
	_ =	sdelay $0x1  }
0x182: {  	v0 =	vadd.f32 v2, v0;
	v2 =	vld [tilespmem:s13+$0xFFFFFF80];
	_ =	sdelay $0x1  }
0x183: {  	[tilespmem:s26+$0x10] =	vst v0  }
0x184: {  	v0 =	vld [tilespmem:s14+$0x20];
	v1 =	vadd.f32 v3, v1  }
0x185: {  	v3 =	vld [tilespmem:s12+$0x20]  }
0x186: {  	v1 =	vadd.f32 v2, v1  }
0x187: {  	v2 =	vld [tilespmem:s13+$0x20]  }
0x188: {  	[tilespmem:s26+$0xFFFFFF80] =	vst v1  }
0x189: {  	v1 =	vld [tilespmem:s14+$0xFFFFFF90]  }
0x18a: {  	v0 =	vadd.f32 v3, v0;
	v3 =	vld [tilespmem:s12+$0xFFFFFF90];
	_ =	sdelay $0x1  }
0x18b: {  	v0 =	vadd.f32 v2, v0;
	v2 =	vld [tilespmem:s13+$0xFFFFFF90];
	_ =	sdelay $0x1  }
0x18c: {  	[tilespmem:s26+$0x20] =	vst v0  }
0x18d: {  	v0 =	vld [tilespmem:s14+$0x30];
	v1 =	vadd.f32 v3, v1  }
0x18e: {  	v3 =	vld [tilespmem:s12+$0x30]  }
0x18f: {  	v1 =	vadd.f32 v2, v1  }
0x190: {  	v2 =	vld [tilespmem:s13+$0x30]  }
0x191: {  	[tilespmem:s26+$0xFFFFFF90] =	vst v1  }
0x192: {  	v1 =	vld [tilespmem:s14+$0xFFFFFFA0]  }
0x193: {  	v0 =	vadd.f32 v3, v0;
	v3 =	vld [tilespmem:s12+$0xFFFFFFA0];
	_ =	sdelay $0x1  }
0x194: {  	s28 =	simm.s32 $0x8160;
	v0 =	vadd.f32 v2, v0;
	v2 =	vld [tilespmem:s13+$0xFFFFFFA0]  }
0x195: {  	s17 =	simm.s32 $0x8260;
	v4 =	vld [tilespmem:s28+$0x0]  }
0x196: {  	v11 =	vld [tilespmem:s17+$0x0];
	[tilespmem:s26+$0x30] =	vst v0  }
0x197: {  	v0 =	vld [tilespmem:s14+$0x40];
	v1 =	vadd.f32 v3, v1  }
0x198: {  	s30 =	simm.s32 $0xA960;
	v3 =	vld [tilespmem:s12+$0x40]  }
0x199: {  	v1 =	vadd.f32 v2, v1;
	v2 =	vld [tilespmem:s30+$0x0]  }
0x19a: {  	s29 =	simm.s32 $0xD160;
	v5 =	vld [tilespmem:s13+$0x40]  }
0x19b: {  	[tilespmem:s26+$0xFFFFFFA0] =	vst v1;
	v1 =	vld [tilespmem:s29+$0x0]  }
0x19c: {  	v6 =	vld [tilespmem:s14+$0xFFFFFFB0]  }
0x19d: {  	v7 =	vld [tilespmem:s12+$0xFFFFFFB0];
	v0 =	vadd.f32 v3, v0  }
0x19e: {  	v3 =	vld [tilespmem:s13+$0xFFFFFFB0];
	v2 =	vadd.f32 v2, v4  }
0x19f: {  	v4 =	vld [tilespmem:s30+$0xFFFFFF80];
	v0 =	vadd.f32 v5, v0  }
0x1a0: {  	v5 =	vld [tilespmem:s28+$0xFFFFFF80];
	v1 =	vadd.f32 v1, v2  }
0x1a1: {  	s31 =	simm.s32 $0x17160;
	v2 =	vld [tilespmem:s29+$0xFFFFFF80];
	[tilespmem:s26+$0x40] =	vst v0  }
0x1a2: {  	v0 =	vadd.f32 v7, v6;
	v6 =	vld [tilespmem:s14+$0x50];
	[tilespmem:s31+$0x0] =	vst v1  }
0x1a3: {  	v1 =	vld [tilespmem:s28+$0x10]  }
0x1a4: {  	v0 =	vadd.f32 v3, v0;
	v3 =	vld [tilespmem:s30+$0x10]  }
0x1a5: {  	v7 =	vld [tilespmem:s12+$0x50];
	v4 =	vadd.f32 v4, v5  }
0x1a6: {  	[tilespmem:s26+$0xFFFFFFB0] =	vst v0;
	v0 =	vld [tilespmem:s29+$0x10]  }
0x1a7: {  	v2 =	vadd.f32 v2, v4;
	v4 =	vld [tilespmem:s13+$0x50]  }
0x1a8: {  	v5 =	vld [tilespmem:s14+$0xFFFFFFC0]  }
0x1a9: {  	v8 =	vld [tilespmem:s12+$0xFFFFFFC0];
	[tilespmem:s31+$0xFFFFFF80] =	vst v2;
	v1 =	vadd.f32 v3, v1  }
0x1aa: {  	v2 =	vld [tilespmem:s28+$0xFFFFFF90]  }
0x1ab: {  	v3 =	vadd.f32 v7, v6;
	v6 =	vld [tilespmem:s30+$0xFFFFFF90];
	v0 =	vadd.f32 v0, v1  }
0x1ac: {  	v1 =	vld [tilespmem:s13+$0xFFFFFFC0]  }
0x1ad: {  	v3 =	vadd.f32 v4, v3;
	v4 =	vld [tilespmem:s29+$0xFFFFFF90];
	[tilespmem:s31+$0x10] =	vst v0  }
0x1ae: {  	v0 =	vld [tilespmem:s28+$0x20]  }
0x1af: {  	s20 =	simm.s32 $0xAA60;
	v5 =	vadd.f32 v8, v5;
	[tilespmem:s26+$0x50] =	vst v3;
	v3 =	vld [tilespmem:s30+$0x20]  }
0x1b0: {  	v12 =	vld [tilespmem:s20+$0xFFFFFF80]  }
0x1b1: {  	v2 =	vadd.f32 v6, v2;
	v1 =	vadd.f32 v1, v5;
	v5 =	vld [tilespmem:s29+$0x20]  }
0x1b2: {  	v7 =	vld [tilespmem:s14+$0x60]  }
0x1b3: {  	v6 =	vld [tilespmem:s12+$0x60];
	v2 =	vadd.f32 v4, v2  }
0x1b4: {  	[tilespmem:s26+$0xFFFFFFC0] =	vst v1;
	v1 =	vld [tilespmem:s13+$0x60];
	v0 =	vadd.f32 v3, v0  }
0x1b5: {  	[tilespmem:s31+$0xFFFFFF90] =	vst v2;
	v4 =	vld [tilespmem:s14+$0xFFFFFFD0]  }
0x1b6: {  	v2 =	vld [tilespmem:s28+$0xFFFFFFA0];
	v0 =	vadd.f32 v5, v0  }
0x1b7: {  	v3 =	vld [tilespmem:s30+$0xFFFFFFA0]  }
0x1b8: {  	v6 =	vadd.f32 v6, v7;
	v5 =	vld [tilespmem:s29+$0xFFFFFFA0];
	[tilespmem:s31+$0x20] =	vst v0  }
0x1b9: {  	v0 =	vld [tilespmem:s28+$0x30]  }
0x1ba: {  	v1 =	vadd.f32 v1, v6;
	v6 =	vld [tilespmem:s30+$0x30]  }
0x1bb: {  	v7 =	vld [tilespmem:s12+$0xFFFFFFD0]  }
0x1bc: {  	v2 =	vadd.f32 v3, v2;
	[tilespmem:s26+$0x60] =	vst v1;
	v1 =	vld [tilespmem:s29+$0x30]  }
0x1bd: {  	v3 =	vld [tilespmem:s13+$0xFFFFFFD0]  }
0x1be: {  	v8 =	vld [tilespmem:s14+$0x70];
	v2 =	vadd.f32 v5, v2  }
0x1bf: {  	v5 =	vld [tilespmem:s12+$0x70];
	v0 =	vadd.f32 v6, v0  }
0x1c0: {  	v4 =	vadd.f32 v7, v4;
	v7 =	vld [tilespmem:s13+$0x70];
	[tilespmem:s31+$0xFFFFFFA0] =	vst v2  }
0x1c1: {  	v2 =	vld [tilespmem:s28+$0xFFFFFFB0];
	v0 =	vadd.f32 v1, v0  }
0x1c2: {  	v3 =	vadd.f32 v3, v4;
	v4 =	vld [tilespmem:s30+$0xFFFFFFB0]  }
0x1c3: {  	v1 =	vld [tilespmem:s29+$0xFFFFFFB0];
	[tilespmem:s31+$0x30] =	vst v0  }
0x1c4: {  	[tilespmem:s26+$0xFFFFFFD0] =	vst v3;
	v3 =	vld [tilespmem:s28+$0x40]  }
0x1c5: {  	v6 =	vld [tilespmem:s30+$0x40]  }
0x1c6: {  	v9 =	vld [tilespmem:s12+$0xFFFFFFE0]  }
0x1c7: {  	v10 =	vld [tilespmem:s29+$0x40]  }
0x1c8: {  	v2 =	vadd.f32 v4, v2;
	v4 =	vld [tilespmem:s20+$0x0]  }
0x1c9: {  	s11 =	simm.s32 $0xD260;
	v54 =	vld [tilespmem:s13+$0xFFFFFFE0]  }
0x1ca: {  	v1 =	vadd.f32 v1, v2;
	v2 =	vld [tilespmem:s11+$0x0];
	v3 =	vadd.f32 v6, v3  }
0x1cb: {  	v0 =	vld [tilespmem:s14+$0xFFFFFFE0]  }
0x1cc: {  	v6 =	vld [tilespmem:s17+$0xFFFFFF80];
	v3 =	vadd.f32 v10, v3  }
0x1cd: {  	[tilespmem:s31+$0xFFFFFFB0] =	vst v1;
	v1 =	vld [tilespmem:s11+$0xFFFFFF80];
	v4 =	vadd.f32 v4, v11  }
0x1ce: {  	v50 =	vld [tilespmem:s28+$0xFFFFFFC0];
	[tilespmem:s31+$0x40] =	vst v3  }
0x1cf: {  	v2 =	vadd.f32 v2, v4;
	v3 =	vld [tilespmem:s28+$0x50]  }
0x1d0: {  	s19 =	simm.s32 $0x17260;
	v4 =	vld [tilespmem:s30+$0x50]  }
0x1d1: {  	[tilespmem:s19+$0x0] =	vst v2;
	v6 =	vadd.f32 v12, v6;
	v2 =	vld [tilespmem:s29+$0x50]  }
0x1d2: {  	v52 =	vld [tilespmem:s17+$0x10]  }
0x1d3: {  	v1 =	vadd.f32 v1, v6;
	v6 =	vld [tilespmem:s20+$0x10]  }
0x1d4: {  	v51 =	vld [tilespmem:s30+$0xFFFFFFC0]  }
0x1d5: {  	[tilespmem:s19+$0xFFFFFF80] =	vst v1;
	v1 =	vld [tilespmem:s11+$0x10];
	v3 =	vadd.f32 v4, v3  }
0x1d6: {  	v4 =	vld [tilespmem:s17+$0xFFFFFF90]  }
0x1d7: {  	v2 =	vadd.f32 v2, v3;
	v3 =	vld [tilespmem:s20+$0xFFFFFF90]  }
0x1d8: {  	v13 =	vld [tilespmem:s29+$0xFFFFFFC0];
	v6 =	vadd.f32 v6, v52  }
0x1d9: {  	v53 =	vld [tilespmem:s11+$0xFFFFFF90];
	[tilespmem:s31+$0x50] =	vst v2  }
0x1da: {  	v0 =	vadd.f32 v9, v0;
	v1 =	vadd.f32 v1, v6;
	v2 =	vld [tilespmem:s28+$0x60]  }
0x1db: {  	v6 =	vld [tilespmem:s30+$0x60]  }
0x1dc: {  	v0 =	vadd.f32 v54, v0;
	[tilespmem:s19+$0x10] =	vst v1;
	v1 =	vld [tilespmem:s29+$0x60];
	v3 =	vadd.f32 v3, v4  }
0x1dd: {  	v4 =	vld [tilespmem:s17+$0x20]  }
0x1de: {  	[tilespmem:s26+$0xFFFFFFE0] =	vst v0;
	v10 =	vadd.f32 v51, v50;
	v55 =	vld [tilespmem:s20+$0x20];
	v3 =	vadd.f32 v53, v3  }
0x1df: {  	v63 =	vld [tilespmem:s14+$0xFFFFFFF0]  }
0x1e0: {  	v10 =	vadd.f32 v13, v10;
	v2 =	vadd.f32 v6, v2;
	[tilespmem:s19+$0xFFFFFF90] =	vst v3;
	v3 =	vld [tilespmem:s11+$0x20]  }
0x1e1: {  	v6 =	vld [tilespmem:s17+$0xFFFFFFA0]  }
0x1e2: {  	[tilespmem:s31+$0xFFFFFFC0] =	vst v10;
	v1 =	vadd.f32 v1, v2;
	v2 =	vld [tilespmem:s20+$0xFFFFFFA0]  }
0x1e3: {  	v56 =	vld [tilespmem:s28+$0xFFFFFFD0];
	v4 =	vadd.f32 v55, v4  }
0x1e4: {  	v57 =	vld [tilespmem:s11+$0xFFFFFFA0]  }
0x1e5: {  	v58 =	vld [tilespmem:s30+$0xFFFFFFD0];
	v3 =	vadd.f32 v3, v4  }
0x1e6: {  	v60 =	vld [tilespmem:s29+$0xFFFFFFD0];
	[tilespmem:s31+$0x60] =	vst v1  }
0x1e7: {  	v1 =	vld [tilespmem:s28+$0x70];
	v2 =	vadd.f32 v2, v6;
	[tilespmem:s19+$0x20] =	vst v3  }
0x1e8: {  	v6 =	vld [tilespmem:s17+$0x30]  }
0x1e9: {  	v2 =	vadd.f32 v57, v2;
	v59 =	vld [tilespmem:s20+$0x30]  }
0x1ea: {  	v4 =	vld [tilespmem:s30+$0x70]  }
0x1eb: {  	[tilespmem:s19+$0xFFFFFFA0] =	vst v2;
	v2 =	vld [tilespmem:s11+$0x30]  }
0x1ec: {  	v10 =	vadd.f32 v58, v56;
	v61 =	vld [tilespmem:s17+$0xFFFFFFB0]  }
0x1ed: {  	v62 =	vld [tilespmem:s20+$0xFFFFFFB0]  }
0x1ee: {  	v9 =	vadd.f32 v60, v10;
	v3 =	vld [tilespmem:s29+$0x70];
	v0 =	vadd.f32 v59, v6  }
0x1ef: {  	v6 =	vld [tilespmem:s11+$0xFFFFFFB0]  }
0x1f0: {  	v5 =	vadd.f32 v5, v8;
	v8 =	vld [tilespmem:s12+$0xFFFFFFF0];
	[tilespmem:s31+$0xFFFFFFD0] =	vst v9;
	v2 =	vadd.f32 v2, v0  }
0x1f1: {  	v4 =	vadd.f32 v4, v1;
	v1 =	vld [tilespmem:s28+$0xFFFFFFE0]  }
0x1f2: {  	v5 =	vadd.f32 v7, v5;
	v0 =	vld [tilespmem:s13+$0xFFFFFFF0];
	v7 =	vadd.f32 v62, v61;
	[tilespmem:s19+$0x30] =	vst v2  }
0x1f3: {  	v2 =	vadd.f32 v3, v4;
	v4 =	vld [tilespmem:s17+$0x40]  }
0x1f4: {  	[tilespmem:s26+$0x70] =	vst v5;
	v6 =	vadd.f32 v6, v7;
	v5 =	vld [tilespmem:s20+$0x40]  }
0x1f5: {  	s15 =	simm.s32 $0x8360;
	v3 =	vld [tilespmem:s30+$0xFFFFFFE0];
	[tilespmem:s31+$0x70] =	vst v2;
	v2 =	vadd.f32 v8, v63  }
0x1f6: {  	s14 =	simm.s32 $0x4;
	s12 =	simm.s32 $0xD260;
	s13 =	simm.s32 $0xAA60;
	[tilespmem:s19+$0xFFFFFFB0] =	vst v6;
	v6 =	vld [tilespmem:s11+$0x40]  }
.LBB2_4:
0x1f7: {  	v7 =	vld [tilespmem:s15+$0x0];
	s20 =	sadd.s32 $0x100, s20;
	v0 =	vadd.f32 v0, v2  }
0x1f8: {  	v2 =	vld [tilespmem:s20+$0x0]  }
0x1f9: {  	v4 =	vadd.f32 v5, v4;
	s11 =	sadd.s32 $0x100, s11;
	v8 =	vld [tilespmem:s20+$0xFFFFFF80];
	[tilespmem:s26+$0xFFFFFFF0] =	vst v0;
	s26 =	smov.u32 s31;
	s31 =	smov.u32 s19  }
0x1fa: {  	v1 =	vadd.f32 v3, v1;
	v0 =	vld [tilespmem:s11+$0x0]  }
0x1fb: {  	v4 =	vadd.f32 v6, v4;
	v3 =	vld [tilespmem:s15+$0xFFFFFF80]  }
0x1fc: {  	v5 =	vld [tilespmem:s11+$0xFFFFFF80]  }
0x1fd: {  	v2 =	vadd.f32 v2, v7;
	v6 =	vld [tilespmem:s17+$0xFFFFFFC0];
	[tilespmem:s19+$0x40] =	vst v4  }
0x1fe: {  	v4 =	vld [tilespmem:s17+$0x50]  }
0x1ff: {  	s14 =	sadd.s32 $0x2, s14;
	v0 =	vadd.f32 v0, v2;
	v2 =	vld [tilespmem:s13+$0x50]  }
0x200: {  	p1 =	slt.u32 s14, $0x4E;
	s19 =	sadd.s32 $0x100, s19;
	v3 =	vadd.f32 v8, v3;
	v7 =	vld [tilespmem:s13+$0xFFFFFFC0]  }
0x201: {  	[tilespmem:s19+$0x0] =	vst v0;
	v0 =	vld [tilespmem:s12+$0x50]  }
0x202: {  	v3 =	vadd.f32 v5, v3;
	v5 =	vld [tilespmem:s15+$0x10]  }
0x203: {  	v8 =	vld [tilespmem:s20+$0x10]  }
0x204: {  	[tilespmem:s19+$0xFFFFFF80] =	vst v3;
	v3 =	vld [tilespmem:s12+$0xFFFFFFC0];
	v2 =	vadd.f32 v2, v4  }
0x205: {  	v4 =	vld [tilespmem:s11+$0x10];
	v6 =	vadd.f32 v7, v6  }
0x206: {  	v7 =	vld [tilespmem:s15+$0xFFFFFF90];
	v0 =	vadd.f32 v0, v2  }
0x207: {  	v2 =	vld [tilespmem:s20+$0xFFFFFF90]  }
0x208: {  	v9 =	vld [tilespmem:s11+$0xFFFFFF90];
	v5 =	vadd.f32 v8, v5;
	[tilespmem:s31+$0x50] =	vst v0  }
0x209: {  	v0 =	vadd.f32 v3, v6;
	v3 =	vld [tilespmem:s17+$0x60]  }
0x20a: {  	v4 =	vadd.f32 v4, v5;
	v5 =	vld [tilespmem:s13+$0x60]  }
0x20b: {  	[tilespmem:s31+$0xFFFFFFC0] =	vst v0;
	v0 =	vld [tilespmem:s29+$0xFFFFFFE0]  }
0x20c: {  	v2 =	vadd.f32 v2, v7;
	[tilespmem:s19+$0x10] =	vst v4;
	v4 =	vld [tilespmem:s12+$0x60]  }
0x20d: {  	v6 =	vld [tilespmem:s15+$0x20]  }
0x20e: {  	v2 =	vadd.f32 v9, v2;
	v7 =	vld [tilespmem:s20+$0x20]  }
0x20f: {  	v8 =	vld [tilespmem:s17+$0xFFFFFFD0];
	v3 =	vadd.f32 v5, v3  }
0x210: {  	[tilespmem:s19+$0xFFFFFF90] =	vst v2;
	v2 =	vld [tilespmem:s11+$0x20];
	v0 =	vadd.f32 v0, v1  }
0x211: {  	v1 =	vld [tilespmem:s15+$0xFFFFFFA0];
	v3 =	vadd.f32 v4, v3  }
0x212: {  	v4 =	vld [tilespmem:s20+$0xFFFFFFA0];
	[tilespmem:s26+$0xFFFFFFE0] =	vst v0  }
0x213: {  	v0 =	vld [tilespmem:s11+$0xFFFFFFA0];
	v5 =	vadd.f32 v7, v6;
	[tilespmem:s31+$0x60] =	vst v3  }
0x214: {  	v3 =	vld [tilespmem:s17+$0x70]  }
0x215: {  	v2 =	vadd.f32 v2, v5;
	v5 =	vld [tilespmem:s13+$0x70]  }
0x216: {  	v6 =	vld [tilespmem:s13+$0xFFFFFFD0]  }
0x217: {  	v1 =	vadd.f32 v4, v1;
	[tilespmem:s19+$0x20] =	vst v2;
	v2 =	vld [tilespmem:s12+$0x70]  }
0x218: {  	v4 =	vld [tilespmem:s15+$0x30]  }
0x219: {  	v0 =	vadd.f32 v0, v1;
	v1 =	vld [tilespmem:s20+$0x30]  }
0x21a: {  	v7 =	vld [tilespmem:s12+$0xFFFFFFD0];
	v3 =	vadd.f32 v5, v3  }
0x21b: {  	[tilespmem:s19+$0xFFFFFFA0] =	vst v0;
	v0 =	vld [tilespmem:s11+$0x30];
	v5 =	vadd.f32 v6, v8  }
0x21c: {  	v6 =	vld [tilespmem:s15+$0xFFFFFFB0];
	v2 =	vadd.f32 v2, v3  }
0x21d: {  	v3 =	vld [tilespmem:s20+$0xFFFFFFB0]  }
0x21e: {  	v8 =	vld [tilespmem:s11+$0xFFFFFFB0];
	v1 =	vadd.f32 v1, v4;
	[tilespmem:s31+$0x70] =	vst v2  }
0x21f: {  	v2 =	vadd.f32 v7, v5;
	v7 =	vld [tilespmem:s28+$0xFFFFFFF0];
	s28 =	smov.u32 s17;
	s17 =	smov.u32 s15  }
0x220: {  	v1 =	vadd.f32 v0, v1;
	v9 =	vld [tilespmem:s30+$0xFFFFFFF0];
	s30 =	smov.u32 s13;
	s13 =	smov.u32 s20  }
0x221: {  	[tilespmem:s31+$0xFFFFFFD0] =	vst v2;
	v0 =	vld [tilespmem:s29+$0xFFFFFFF0];
	s29 =	smov.u32 s12;
	s12 =	smov.u32 s11  }
.Ltmp7:
0x222: {  	v2 =	vadd.f32 v3, v6;
	[tilespmem:s19+$0x30] =	vst v1;
	v1 =	vld [tilespmem:s28+$0xFFFFFFE0];
	(pc) =	sbr.rel @p1 .LBB2_4-.Ltmp7, $4  }
0x223: {  	v4 =	vld [tilespmem:s15+$0x40]  }
0x224: {  	v6 =	vadd.f32 v8, v2;
	v5 =	vld [tilespmem:s20+$0x40]  }
0x225: {  	v3 =	vld [tilespmem:s30+$0xFFFFFFE0];
	v2 =	vadd.f32 v9, v7  }
0x226: {  	s15 =	sadd.s32 $0x100, s15;
	[tilespmem:s19+$0xFFFFFFB0] =	vst v6;
	v6 =	vld [tilespmem:s11+$0x40]  }
.Ltmp8:
0x227: {  	_ = 	snop;
	(pc) =	sbr.rel .LBB2_5-.Ltmp8, $1  }
0x228: {  	_ =	sdelay $0x3  }
.LBB2_11:
0x229: {  	_ =	sfence.sel $0x180000  }
0x22a: {  	[bflag:$0x0] =	sbarrier.arrive $0xFFFF  }
0x22b: {  	_ =	strace $0x90000047  }
0x22c: {  	[bflag:$0x2] =	sbarrier.arrive $0xFFFF  }
0x22d: {  	s0 =	rddreg [dreg:$0x8]  }
0x22e: {  	s0 =	sadd.s32 @!p0 $0x100000, s0  }
0x22f: {  	[sflag:s0] =	ssyncadd.tile.s32 @!p0 $0x1;
	_ =	shalt  }
.Lfunc_end2:
_tile_overlayer_lowered:
.L_overlay_start_2:
0x230: {  	(tag) =	ssettag $0x2  }
0x231: {  	s0 =	rddreg [dreg:$0x0];
	s2 =	stileid.u32  }
0x232: {  	s1 =	rddreg [dreg:$0x1];
	p0 =	sne.s32 s2, $0x0  }
0x233: {  	s3 =	rddreg [dreg:$0x2];
	[bflag:$0x3] =	sbarrier.arrive $0xFFFF;
	s2 =	simm.s32 @!p0 $0x1C05  }
0x234: {  	[timem:s3], [sflag:s2] =	dma.local @!p0 [hbm:s0], s1  }
0x235: {  	s0 =	simm.s32 @!p0 $0x5  }
0x236: {  	_ =	swait.ge @!p0 [sflag:s0], s1  }
0x237: {  	s1 =	ssub.s32 @!p0 $0x0, s1;
	[sflag:s0] =	ssyncset.done @!p0 $0x0  }
0x238: {  	[sflag:s0] =	ssyncadd.s32 @!p0 s1  }
0x239: {  	[bflag:$0x3] =	sbarrier.arrive $0xFFFF  }
0x23a: {  	_ =	shalt  }

</sc_bundles>
